<compile_context>
chip_gen: v7x
topology: tpu7x:2x2x1
jax: 0.10.2.dev20260603
libtpu: 0.0.44.dev20260713+nightly
codegen_flags: <defaults>
</compile_context>

<pallas_src>
import functools

import jax
import jax.numpy as jnp
from jax import lax
from jax.experimental import pallas as pl
from jax.experimental.pallas import tpu as pltpu
from jax.experimental.pallas import tpu_sc as plsc

N = 10000
D = 128
E = 320000
NC = 2
NS = 16
NW = NC * NS
L = 16
EPT = E // NW
FPT = D // NW
PB = 3200
NP = E // PB

_MESH = plsc.VectorSubcoreMesh(
    core_axis_name="c", subcore_axis_name="s", num_cores=NC, num_subcores=NS)


def _deg_body(dst_hbm, out_hbm, didx, deg):
    c = lax.axis_index("c")
    s = lax.axis_index("s")
    wid = c * NS + s

    zeros = jnp.zeros((L,), jnp.float32)

    def zrow(i, _):
        deg[pl.ds(i * L, L)] = zeros
        return 0
    lax.fori_loop(0, N // L, zrow, 0)

    pltpu.sync_copy(dst_hbm.at[pl.ds(wid * EPT, EPT)], didx)

    ones = jnp.ones((L,), jnp.float32)

    def step(v, _):
        d16 = didx[pl.ds(v * L, L)]
        plsc.addupdate_scatter(deg, [d16], ones)
        return 0
    lax.fori_loop(0, EPT // L, step, 0)

    pltpu.sync_copy(deg, out_hbm.at[wid])


_deg_call = functools.partial(
    pl.kernel,
    out_type=jax.ShapeDtypeStruct((NW, N), jnp.float32),
    mesh=_MESH,
    compiler_params=pltpu.CompilerParams(needs_layout_passes=False),
    scratch_types=[
        pltpu.VMEM((EPT,), jnp.int32),
        pltpu.VMEM((N,), jnp.float32),
    ],
)(_deg_body)


def _agg_body(hpre_hbm, src_hbm, dst_hbm, out_hbm, sidx, didx, hloc, aloc):
    c = lax.axis_index("c")
    s = lax.axis_index("s")
    wid = c * NS + s

    zeros = jnp.zeros((L,), jnp.float32)

    def zrow(i, _):
        aloc[pl.ds(i * L, L)] = zeros
        return 0
    lax.fori_loop(0, (N * FPT) // L, zrow, 0)

    pltpu.sync_copy(hpre_hbm.at[wid], hloc)

    def piece(p, _):
        pltpu.sync_copy(src_hbm.at[pl.ds(p * PB, PB)], sidx)
        pltpu.sync_copy(dst_hbm.at[pl.ds(p * PB, PB)], didx)

        @plsc.parallel_loop(0, PB // L, unroll=4)
        def step(v):
            s16 = sidx[pl.ds(v * L, L)] * FPT
            d16 = didx[pl.ds(v * L, L)] * FPT
            for col in range(FPT):
                g = plsc.load_gather(hloc, [s16 + col])
                plsc.addupdate_scatter(aloc, [d16 + col], g)
        return 0
    lax.fori_loop(0, NP, piece, 0)

    pltpu.sync_copy(aloc, out_hbm.at[wid])


_agg_call = functools.partial(
    pl.kernel,
    out_type=jax.ShapeDtypeStruct((NW, N * FPT), jnp.float32),
    mesh=_MESH,
    compiler_params=pltpu.CompilerParams(needs_layout_passes=False),
    scratch_types=[
        pltpu.VMEM((PB,), jnp.int32),
        pltpu.VMEM((PB,), jnp.int32),
        pltpu.VMEM((N * FPT,), jnp.float32),
        pltpu.VMEM((N * FPT,), jnp.float32),
    ],
)(_agg_body)


def _to_slices(h):
    return h.reshape(N, NW, FPT).transpose(1, 0, 2).reshape(NW, N * FPT)


def _from_slices(a):
    return a.reshape(NW, N, FPT).transpose(1, 0, 2).reshape(N, D)


def _pre_body(degp_ref, x_ref, w_ref, dinv_ref, hpre_ref):
    deg = jnp.sum(degp_ref[...], axis=1, keepdims=True) + 1.0
    dinv = lax.rsqrt(jnp.maximum(deg, 1e-12))
    h = jnp.dot(x_ref[...], w_ref[...], preferred_element_type=jnp.float32)
    dinv_ref[...] = dinv
    hpre_ref[...] = h * dinv


def _pre_call(degp, x, w):
    return pl.pallas_call(
        _pre_body,
        out_shape=(
            jax.ShapeDtypeStruct((N, 1), jnp.float32),
            jax.ShapeDtypeStruct((N, D), jnp.float32),
        ),
    )(degp, x, w)


def _bn(t, g, be):
    mu = jnp.mean(t, axis=0, keepdims=True)
    var = jnp.mean((t - mu) * (t - mu), axis=0, keepdims=True)
    return (t - mu) * lax.rsqrt(var + 1e-5) * g + be


def _mid_body(agg_ref, hprev_ref, dinv_ref, g_ref, be_ref, w_ref, hnext_ref):
    dinv = dinv_ref[...]
    t = (agg_ref[...] + hprev_ref[...]) * dinv
    z = jnp.maximum(_bn(t, g_ref[...], be_ref[...]), 0.0)
    h = jnp.dot(z, w_ref[...], preferred_element_type=jnp.float32)
    hnext_ref[...] = h * dinv


def _mid_call(agg, hprev, dinv, g, be, w):
    return pl.pallas_call(
        _mid_body,
        out_shape=jax.ShapeDtypeStruct((N, D), jnp.float32),
    )(agg, hprev, dinv, g.reshape(1, D), be.reshape(1, D), w)


def _out_body(agg_ref, hprev_ref, dinv_ref, g_ref, be_ref, wc_ref, bc_ref,
              out_ref, emb_ref):
    t = (agg_ref[...] + hprev_ref[...]) * dinv_ref[...]
    emb = _bn(t, g_ref[...], be_ref[...])
    emb_ref[...] = emb
    out_ref[...] = jnp.dot(emb, wc_ref[...],
                           preferred_element_type=jnp.float32) + bc_ref[...]


def _out_call(agg, hprev, dinv, g, be, wc, bc):
    nout = wc.shape[1]
    return pl.pallas_call(
        _out_body,
        out_shape=(
            jax.ShapeDtypeStruct((N, nout), jnp.float32),
            jax.ShapeDtypeStruct((N, D), jnp.float32),
        ),
    )(agg, hprev, dinv, g.reshape(1, D), be.reshape(1, D), wc,
      bc.reshape(1, nout))


def kernel(x, edge_index, W1, b1, g1, be1, W2, b2, g2, be2, W3, b3, g3, be3,
           Wc, bc):
    src = edge_index[0]
    dst = edge_index[1]

    degp = _deg_call(dst)
    dinv, hpre1 = _pre_call(degp.T, x, W1)

    agg1 = _from_slices(_agg_call(_to_slices(hpre1), src, dst))
    hpre2 = _mid_call(agg1, hpre1, dinv, g1, be1, W2)

    agg2 = _from_slices(_agg_call(_to_slices(hpre2), src, dst))
    hpre3 = _mid_call(agg2, hpre2, dinv, g2, be2, W3)

    agg3 = _from_slices(_agg_call(_to_slices(hpre3), src, dst))
    out, emb = _out_call(agg3, hpre3, dinv, g3, be3, Wc, bc)
    return (out, emb)

# --- scband reference (transcript-rebuilt; emitter-appended) ---
"""Pipeline reference for scband-graph-convolutional-network-51891794870976 (READ-ONLY COPY).

The authoritative reference and input builder live on the scoring server;
editing this copy changes nothing except your own understanding.
"""

import jax, jax.numpy as jnp
import numpy as np

N = 10000
D_IN = 128
HID = 128
OUT = 2
E = 320000


def setup_inputs(seed: int = 0):
    key = jax.random.key(seed)
    ks = jax.random.split(key, 16)
    x = jax.random.normal(ks[0], (N, D_IN), dtype=jnp.float32)
    edge_index = jax.random.randint(ks[1], (2, E), 0, N, dtype=jnp.int32)
    def lin(k, fi, fo):
        s = 1.0 / np.sqrt(fi)
        kw, kb = jax.random.split(k)
        W = jax.random.uniform(kw, (fi, fo), jnp.float32, -s, s)
        b = jax.random.uniform(kb, (fo,), jnp.float32, -s, s)
        return W, b
    W1, b1 = lin(ks[2], D_IN, HID)
    W2, b2 = lin(ks[3], HID, HID)
    W3, b3 = lin(ks[4], HID, HID)
    Wc, bc = lin(ks[5], HID, OUT)
    g1 = jnp.ones((HID,), jnp.float32); be1 = jnp.zeros((HID,), jnp.float32)
    g2 = jnp.ones((HID,), jnp.float32); be2 = jnp.zeros((HID,), jnp.float32)
    g3 = jnp.ones((HID,), jnp.float32); be3 = jnp.zeros((HID,), jnp.float32)
    return {"x": x, "edge_index": edge_index,
            "W1": W1, "b1": b1, "g1": g1, "be1": be1,
            "W2": W2, "b2": b2, "g2": g2, "be2": be2,
            "W3": W3, "b3": b3, "g3": g3, "be3": be3,
            "Wc": Wc, "bc": bc}


def _gcn_conv(x, W, b, src, dst, norm):
    # Kipf-Welling GCN layer: out = D^{-1/2} (A+I) D^{-1/2} X W + b
    h = x @ W
    msg = h[src] * norm[:, None]
    agg = jnp.zeros((x.shape[0], h.shape[1]), h.dtype).at[dst].add(msg)
    return agg + b


def _bn(h, g, b):
    mu = jnp.mean(h, axis=0)
    var = jnp.var(h, axis=0)
    return (h - mu) * jax.lax.rsqrt(var + 1e-5) * g + b


def reference(x, edge_index, W1, b1, g1, be1, W2, b2, g2, be2, W3, b3, g3, be3, Wc, bc):
    n = x.shape[0]
    ar = jnp.arange(n, dtype=edge_index.dtype)
    src = jnp.concatenate([edge_index[0], ar])
    dst = jnp.concatenate([edge_index[1], ar])
    deg = jnp.zeros((n,), x.dtype).at[dst].add(1.0)
    dinv = jax.lax.rsqrt(jnp.maximum(deg, 1e-12))
    norm = dinv[src] * dinv[dst]
    # layer 1 (conv -> bn -> relu; dropout is identity in eval mode)
    h = _gcn_conv(x, W1, b1, src, dst, norm)
    h = jax.nn.relu(_bn(h, g1, be1))
    # layer 2
    h = _gcn_conv(h, W2, b2, src, dst, norm)
    h = jax.nn.relu(_bn(h, g2, be2))
    # layer 3 (final conv -> bn, no relu/dropout)
    h = _gcn_conv(h, W3, b3, src, dst, norm)
    h = _bn(h, g3, be3)
    embeddings = h
    out = h @ Wc + bc
    return (out, embeddings)

if __name__ == "__main__":
    import jax
    _d = setup_inputs()
    print(jax.jit(kernel)(*tuple(_d.values())))

</pallas_src>

<mosaic_0001>
#map = affine_map<(d0, d1) -> (0)>
#map1 = affine_map<(d0, d1) -> (0, 0)>
module attributes {stable_mosaic.version = 14 : i64} {
  func.func @_deg_body(%arg0: i32, %arg1: i32, %arg2: memref<320000xi32, #tpu.memory_space<hbm>>, %arg3: memref<32x10000xf32, #tpu.memory_space<hbm>>, %arg4: memref<10000xi32, #tpu.memory_space<vmem>>, %arg5: memref<10000xf32, #tpu.memory_space<vmem>>) attributes {dimension_semantics = [#tpu.dimension_semantics<core_parallel>, #tpu.dimension_semantics<subcore_parallel>], iteration_bounds = array<i64: 2, 16>, scalar_prefetch = 0 : i64, scratch_operands = 2 : i64, tpu.core_type = #tpu.core_type<sc_vector_subcore>, window_params = [{transform_indices = #map}, {transform_indices = #map1}]} {
    %mul3A = arith.constant 16 : i32
    %mul3A_0 = arith.muli %arg0, %mul3A : i32
    %add3A = arith.addi %mul3A_0, %arg1 : i32
    %broadcast_in_dim3A = arith.constant 0.000000e+00 : f32
    %broadcast_in_dim3A_1 = vector.broadcast %broadcast_in_dim3A : f32 to vector<16xf32>
    %scan3A = arith.constant 0 : i32
    %scan3A_2 = arith.constant 0 : i32
    %scan3A_3 = arith.constant 625 : i32
    %scan3A_4 = arith.addi %scan3A_2, %scan3A_3 : i32
    %scan3A_5 = arith.constant 1 : i32
    %scan3A_6 = scf.for %scan3A_19 = %scan3A_2 to %scan3A_4 step %scan3A_5 iter_args(%scan3A_20 = %scan3A) -> (i32)  : i32 {
      %mul3A_21 = arith.constant 16 : i32
      %mul3A_22 = arith.muli %scan3A_19, %mul3A_21 : i32
      %swap3A = arith.index_cast %mul3A_22 : i32 to index
      %swap3A_23 = tpu.vector_load %arg5[%swap3A] {strides = array<i32>} : memref<10000xf32, #tpu.memory_space<vmem>>, vector<16xf32>,
      tpu.vector_store %arg5[%swap3A], %broadcast_in_dim3A_1 {strides = array<i32>} : memref<10000xf32, #tpu.memory_space<vmem>>, vector<16xf32>,
      %scan3A_24 = arith.constant 0 : i32
      scf.yield %scan3A_24 : i32
    }
    %scan3A_7 = arith.constant 625 : i32
    %mul3A_8 = arith.constant 10000 : i32
    %mul3A_9 = arith.muli %add3A, %mul3A_8 : i32
    "tpu.region"() ({
      %run_scoped3A = tpu.sem_alloc : memref<!tpu.dma_semaphore, #tpu.memory_space<semaphore_mem>>
      %dma_start3A = tpu.memref_slice %arg2[%mul3A_9] : memref<320000xi32, #tpu.memory_space<hbm>> -> memref<10000xi32, #tpu.memory_space<hbm>>
      %dma_start3A_19 = tpu.memref_slice %arg2[%mul3A_9] : memref<320000xi32, #tpu.memory_space<hbm>> -> memref<10000xi32, #tpu.memory_space<hbm>>
      tpu.enqueue_dma source(%dma_start3A_19 : memref<10000xi32, #tpu.memory_space<hbm>>) target(%arg4 : memref<10000xi32, #tpu.memory_space<vmem>>) target_semaphore(%run_scoped3A : memref<!tpu.dma_semaphore, #tpu.memory_space<semaphore_mem>>)
      %dma_wait3A = tpu.memref_slice %arg2[%mul3A_9] : memref<320000xi32, #tpu.memory_space<hbm>> -> memref<10000xi32, #tpu.memory_space<hbm>>
      %dma_wait3A_20 = tpu.memref_slice %arg2[%mul3A_9] : memref<320000xi32, #tpu.memory_space<hbm>> -> memref<10000xi32, #tpu.memory_space<hbm>>
      tpu.wait_dma2 semaphore(%run_scoped3A : memref<!tpu.dma_semaphore, #tpu.memory_space<semaphore_mem>>) src(%dma_wait3A_20 : memref<10000xi32, #tpu.memory_space<hbm>>) dst(%arg4 : memref<10000xi32, #tpu.memory_space<vmem>>)
      tpu.yield
    }) : () -> ()
    %broadcast_in_dim3A_10 = arith.constant 1.000000e+00 : f32
    %broadcast_in_dim3A_11 = vector.broadcast %broadcast_in_dim3A_10 : f32 to vector<16xf32>
    %scan3A_12 = arith.constant 0 : i32
    %scan3A_13 = arith.constant 0 : i32
    %scan3A_14 = arith.constant 625 : i32
    %scan3A_15 = arith.addi %scan3A_13, %scan3A_14 : i32
    %scan3A_16 = arith.constant 1 : i32
    %scan3A_17 = scf.for %scan3A_19 = %scan3A_13 to %scan3A_15 step %scan3A_16 iter_args(%scan3A_20 = %scan3A_12) -> (i32)  : i32 {
      %mul3A_21 = arith.constant 16 : i32
      %mul3A_22 = arith.muli %scan3A_19, %mul3A_21 : i32
      %get3A = arith.index_cast %mul3A_22 : i32 to index
      %get3A_23 = tpu.vector_load %arg4[%get3A] {strides = array<i32>} : memref<10000xi32, #tpu.memory_space<vmem>>, vector<16xi32>,
      tpu.vector_store_idx %arg5[%get3A_23], %broadcast_in_dim3A_11 {add = true} : memref<10000xf32, #tpu.memory_space<vmem>>[vector<16xi32>], vector<16xf32>,
      %scan3A_24 = arith.constant 0 : i32
      scf.yield %scan3A_24 : i32
    }
    %scan3A_18 = arith.constant 625 : i32
    "tpu.region"() ({
      %run_scoped3A = tpu.sem_alloc : memref<!tpu.dma_semaphore, #tpu.memory_space<semaphore_mem>>
      %dma_start3A = arith.constant 0 : i32
      %dma_start3A_19 = tpu.memref_slice %arg3[%add3A, %dma_start3A] : memref<32x10000xf32, #tpu.memory_space<hbm>> -> memref<1x10000xf32, #tpu.memory_space<hbm>>
      %dma_start3A_20 = tpu.memref_squeeze %dma_start3A_19 : memref<1x10000xf32, #tpu.memory_space<hbm>> -> memref<10000xf32, #tpu.memory_space<hbm>>
      %dma_start3A_21 = arith.constant 0 : i32
      %dma_start3A_22 = tpu.memref_slice %arg3[%add3A, %dma_start3A_21] : memref<32x10000xf32, #tpu.memory_space<hbm>> -> memref<1x10000xf32, #tpu.memory_space<hbm>>
      %dma_start3A_23 = tpu.memref_squeeze %dma_start3A_22 : memref<1x10000xf32, #tpu.memory_space<hbm>> -> memref<10000xf32, #tpu.memory_space<hbm>>
      tpu.enqueue_dma source(%arg5 : memref<10000xf32, #tpu.memory_space<vmem>>) target(%dma_start3A_23 : memref<10000xf32, #tpu.memory_space<hbm>>) target_semaphore(%run_scoped3A : memref<!tpu.dma_semaphore, #tpu.memory_space<semaphore_mem>>)
      %dma_wait3A = arith.constant 0 : i32
      %dma_wait3A_24 = tpu.memref_slice %arg3[%add3A, %dma_wait3A] : memref<32x10000xf32, #tpu.memory_space<hbm>> -> memref<1x10000xf32, #tpu.memory_space<hbm>>
      %dma_wait3A_25 = tpu.memref_squeeze %dma_wait3A_24 : memref<1x10000xf32, #tpu.memory_space<hbm>> -> memref<10000xf32, #tpu.memory_space<hbm>>
      %dma_wait3A_26 = arith.constant 0 : i32
      %dma_wait3A_27 = tpu.memref_slice %arg3[%add3A, %dma_wait3A_26] : memref<32x10000xf32, #tpu.memory_space<hbm>> -> memref<1x10000xf32, #tpu.memory_space<hbm>>
      %dma_wait3A_28 = tpu.memref_squeeze %dma_wait3A_27 : memref<1x10000xf32, #tpu.memory_space<hbm>> -> memref<10000xf32, #tpu.memory_space<hbm>>
      tpu.wait_dma2 semaphore(%run_scoped3A : memref<!tpu.dma_semaphore, #tpu.memory_space<semaphore_mem>>) src(%arg5 : memref<10000xf32, #tpu.memory_space<vmem>>) dst(%dma_wait3A_28 : memref<10000xf32, #tpu.memory_space<hbm>>)
      tpu.yield
    }) : () -> ()
    return
  }
}

#map = affine_map<(d0, d1) -> (0, 0)>
#map1 = affine_map<(d0, d1) -> (0)>
module attributes {stable_mosaic.version = 14 : i64} {
  func.func @_agg_body(%arg0: i32, %arg1: i32, %arg2: memref<32x40000xf32, #tpu.memory_space<hbm>>, %arg3: memref<320000xi32, #tpu.memory_space<hbm>>, %arg4: memref<320000xi32, #tpu.memory_space<hbm>>, %arg5: memref<32x40000xf32, #tpu.memory_space<hbm>>, %arg6: memref<3200xi32, #tpu.memory_space<vmem>>, %arg7: memref<3200xi32, #tpu.memory_space<vmem>>, %arg8: memref<40000xf32, #tpu.memory_space<vmem>>, %arg9: memref<40000xf32, #tpu.memory_space<vmem>>) attributes {dimension_semantics = [#tpu.dimension_semantics<core_parallel>, #tpu.dimension_semantics<subcore_parallel>], iteration_bounds = array<i64: 2, 16>, scalar_prefetch = 0 : i64, scratch_operands = 4 : i64, tpu.core_type = #tpu.core_type<sc_vector_subcore>, window_params = [{transform_indices = #map}, {transform_indices = #map1}, {transform_indices = #map1}, {transform_indices = #map}]} {
    %mul3A = arith.constant 16 : i32
    %mul3A_0 = arith.muli %arg0, %mul3A : i32
    %add3A = arith.addi %mul3A_0, %arg1 : i32
    %broadcast_in_dim3A = arith.constant 0.000000e+00 : f32
    %broadcast_in_dim3A_1 = vector.broadcast %broadcast_in_dim3A : f32 to vector<16xf32>
    %scan3A = arith.constant 0 : i32
    %scan3A_2 = arith.constant 0 : i32
    %scan3A_3 = arith.constant 2500 : i32
    %scan3A_4 = arith.addi %scan3A_2, %scan3A_3 : i32
    %scan3A_5 = arith.constant 1 : i32
    %scan3A_6 = scf.for %scan3A_15 = %scan3A_2 to %scan3A_4 step %scan3A_5 iter_args(%scan3A_16 = %scan3A) -> (i32)  : i32 {
      %mul3A_17 = arith.constant 16 : i32
      %mul3A_18 = arith.muli %scan3A_15, %mul3A_17 : i32
      %swap3A = arith.index_cast %mul3A_18 : i32 to index
      %swap3A_19 = tpu.vector_load %arg9[%swap3A] {strides = array<i32>} : memref<40000xf32, #tpu.memory_space<vmem>>, vector<16xf32>,
      tpu.vector_store %arg9[%swap3A], %broadcast_in_dim3A_1 {strides = array<i32>} : memref<40000xf32, #tpu.memory_space<vmem>>, vector<16xf32>,
      %scan3A_20 = arith.constant 0 : i32
      scf.yield %scan3A_20 : i32
    }
    %scan3A_7 = arith.constant 2500 : i32
    "tpu.region"() ({
      %run_scoped3A = tpu.sem_alloc : memref<!tpu.dma_semaphore, #tpu.memory_space<semaphore_mem>>
      %dma_start3A = arith.constant 0 : i32
      %dma_start3A_15 = tpu.memref_slice %arg2[%add3A, %dma_start3A] : memref<32x40000xf32, #tpu.memory_space<hbm>> -> memref<1x40000xf32, #tpu.memory_space<hbm>>
      %dma_start3A_16 = tpu.memref_squeeze %dma_start3A_15 : memref<1x40000xf32, #tpu.memory_space<hbm>> -> memref<40000xf32, #tpu.memory_space<hbm>>
      %dma_start3A_17 = arith.constant 0 : i32
      %dma_start3A_18 = tpu.memref_slice %arg2[%add3A, %dma_start3A_17] : memref<32x40000xf32, #tpu.memory_space<hbm>> -> memref<1x40000xf32, #tpu.memory_space<hbm>>
      %dma_start3A_19 = tpu.memref_squeeze %dma_start3A_18 : memref<1x40000xf32, #tpu.memory_space<hbm>> -> memref<40000xf32, #tpu.memory_space<hbm>>
      tpu.enqueue_dma source(%dma_start3A_19 : memref<40000xf32, #tpu.memory_space<hbm>>) target(%arg8 : memref<40000xf32, #tpu.memory_space<vmem>>) target_semaphore(%run_scoped3A : memref<!tpu.dma_semaphore, #tpu.memory_space<semaphore_mem>>)
      %dma_wait3A = arith.constant 0 : i32
      %dma_wait3A_20 = tpu.memref_slice %arg2[%add3A, %dma_wait3A] : memref<32x40000xf32, #tpu.memory_space<hbm>> -> memref<1x40000xf32, #tpu.memory_space<hbm>>
      %dma_wait3A_21 = tpu.memref_squeeze %dma_wait3A_20 : memref<1x40000xf32, #tpu.memory_space<hbm>> -> memref<40000xf32, #tpu.memory_space<hbm>>
      %dma_wait3A_22 = arith.constant 0 : i32
      %dma_wait3A_23 = tpu.memref_slice %arg2[%add3A, %dma_wait3A_22] : memref<32x40000xf32, #tpu.memory_space<hbm>> -> memref<1x40000xf32, #tpu.memory_space<hbm>>
      %dma_wait3A_24 = tpu.memref_squeeze %dma_wait3A_23 : memref<1x40000xf32, #tpu.memory_space<hbm>> -> memref<40000xf32, #tpu.memory_space<hbm>>
      tpu.wait_dma2 semaphore(%run_scoped3A : memref<!tpu.dma_semaphore, #tpu.memory_space<semaphore_mem>>) src(%dma_wait3A_24 : memref<40000xf32, #tpu.memory_space<hbm>>) dst(%arg8 : memref<40000xf32, #tpu.memory_space<vmem>>)
      tpu.yield
    }) : () -> ()
    %scan3A_8 = arith.constant 0 : i32
    %scan3A_9 = arith.constant 0 : i32
    %scan3A_10 = arith.constant 100 : i32
    %scan3A_11 = arith.addi %scan3A_9, %scan3A_10 : i32
    %scan3A_12 = arith.constant 1 : i32
    %scan3A_13 = scf.for %scan3A_15 = %scan3A_9 to %scan3A_11 step %scan3A_12 iter_args(%scan3A_16 = %scan3A_8) -> (i32)  : i32 {
      %mul3A_17 = arith.constant 3200 : i32
      %mul3A_18 = arith.muli %scan3A_15, %mul3A_17 : i32
      "tpu.region"() ({
        %run_scoped3A = tpu.sem_alloc : memref<!tpu.dma_semaphore, #tpu.memory_space<semaphore_mem>>
        %dma_start3A = tpu.memref_slice %arg3[%mul3A_18] : memref<320000xi32, #tpu.memory_space<hbm>> -> memref<3200xi32, #tpu.memory_space<hbm>>
        %dma_start3A_24 = tpu.memref_slice %arg3[%mul3A_18] : memref<320000xi32, #tpu.memory_space<hbm>> -> memref<3200xi32, #tpu.memory_space<hbm>>
        tpu.enqueue_dma source(%dma_start3A_24 : memref<3200xi32, #tpu.memory_space<hbm>>) target(%arg6 : memref<3200xi32, #tpu.memory_space<vmem>>) target_semaphore(%run_scoped3A : memref<!tpu.dma_semaphore, #tpu.memory_space<semaphore_mem>>)
        %dma_wait3A = tpu.memref_slice %arg3[%mul3A_18] : memref<320000xi32, #tpu.memory_space<hbm>> -> memref<3200xi32, #tpu.memory_space<hbm>>
        %dma_wait3A_25 = tpu.memref_slice %arg3[%mul3A_18] : memref<320000xi32, #tpu.memory_space<hbm>> -> memref<3200xi32, #tpu.memory_space<hbm>>
        tpu.wait_dma2 semaphore(%run_scoped3A : memref<!tpu.dma_semaphore, #tpu.memory_space<semaphore_mem>>) src(%dma_wait3A_25 : memref<3200xi32, #tpu.memory_space<hbm>>) dst(%arg6 : memref<3200xi32, #tpu.memory_space<vmem>>)
        tpu.yield
      }) : () -> ()
      %mul3A_19 = arith.constant 3200 : i32
      %mul3A_20 = arith.muli %scan3A_15, %mul3A_19 : i32
      "tpu.region"() ({
        %run_scoped3A = tpu.sem_alloc : memref<!tpu.dma_semaphore, #tpu.memory_space<semaphore_mem>>
        %dma_start3A = tpu.memref_slice %arg4[%mul3A_20] : memref<320000xi32, #tpu.memory_space<hbm>> -> memref<3200xi32, #tpu.memory_space<hbm>>
        %dma_start3A_24 = tpu.memref_slice %arg4[%mul3A_20] : memref<320000xi32, #tpu.memory_space<hbm>> -> memref<3200xi32, #tpu.memory_space<hbm>>
        tpu.enqueue_dma source(%dma_start3A_24 : memref<3200xi32, #tpu.memory_space<hbm>>) target(%arg7 : memref<3200xi32, #tpu.memory_space<vmem>>) target_semaphore(%run_scoped3A : memref<!tpu.dma_semaphore, #tpu.memory_space<semaphore_mem>>)
        %dma_wait3A = tpu.memref_slice %arg4[%mul3A_20] : memref<320000xi32, #tpu.memory_space<hbm>> -> memref<3200xi32, #tpu.memory_space<hbm>>
        %dma_wait3A_25 = tpu.memref_slice %arg4[%mul3A_20] : memref<320000xi32, #tpu.memory_space<hbm>> -> memref<3200xi32, #tpu.memory_space<hbm>>
        tpu.wait_dma2 semaphore(%run_scoped3A : memref<!tpu.dma_semaphore, #tpu.memory_space<semaphore_mem>>) src(%dma_wait3A_25 : memref<3200xi32, #tpu.memory_space<hbm>>) dst(%arg7 : memref<3200xi32, #tpu.memory_space<vmem>>)
        tpu.yield
      }) : () -> ()
      %parallel_loop3A = arith.constant 0 : i32
      %parallel_loop3A_21 = arith.constant 200 : i32
      %parallel_loop3A_22 = arith.constant 1 : i32
      scf.for %parallel_loop3A_24 = %parallel_loop3A to %parallel_loop3A_21 step %parallel_loop3A_22  : i32 {
        %parallel_loop3A_25 = arith.constant 16 : i32
        %parallel_loop3A_26 = arith.muli %parallel_loop3A_24, %parallel_loop3A_25 : i32
        %parallel_loop3A_27 = arith.index_cast %parallel_loop3A_26 : i32 to index
        %parallel_loop3A_28 = tpu.vector_load %arg6[%parallel_loop3A_27] {strides = array<i32>} : memref<3200xi32, #tpu.memory_space<vmem>>, vector<16xi32>,
        %parallel_loop3A_29 = arith.constant 4 : i32
        %parallel_loop3A_30 = vector.broadcast %parallel_loop3A_29 : i32 to vector<16xi32>
        %parallel_loop3A_31 = arith.muli %parallel_loop3A_28, %parallel_loop3A_30 : vector<16xi32>
        %parallel_loop3A_32 = arith.constant 16 : i32
        %parallel_loop3A_33 = arith.muli %parallel_loop3A_24, %parallel_loop3A_32 : i32
        %parallel_loop3A_34 = arith.index_cast %parallel_loop3A_33 : i32 to index
        %parallel_loop3A_35 = tpu.vector_load %arg7[%parallel_loop3A_34] {strides = array<i32>} : memref<3200xi32, #tpu.memory_space<vmem>>, vector<16xi32>,
        %parallel_loop3A_36 = arith.constant 4 : i32
        %parallel_loop3A_37 = vector.broadcast %parallel_loop3A_36 : i32 to vector<16xi32>
        %parallel_loop3A_38 = arith.muli %parallel_loop3A_35, %parallel_loop3A_37 : vector<16xi32>
        %parallel_loop3A_39 = arith.constant 0 : i32
        %parallel_loop3A_40 = vector.broadcast %parallel_loop3A_39 : i32 to vector<16xi32>
        %parallel_loop3A_41 = arith.addi %parallel_loop3A_31, %parallel_loop3A_40 : vector<16xi32>
        %parallel_loop3A_42 = tpu.vector_load_idx %arg8[%parallel_loop3A_41] : memref<40000xf32, #tpu.memory_space<vmem>>[vector<16xi32>], vector<16xf32>,
        %parallel_loop3A_43 = arith.constant 0 : i32
        %parallel_loop3A_44 = vector.broadcast %parallel_loop3A_43 : i32 to vector<16xi32>
        %parallel_loop3A_45 = arith.addi %parallel_loop3A_38, %parallel_loop3A_44 : vector<16xi32>
        tpu.vector_store_idx %arg9[%parallel_loop3A_45], %parallel_loop3A_42 {add = true} : memref<40000xf32, #tpu.memory_space<vmem>>[vector<16xi32>], vector<16xf32>,
        %parallel_loop3A_46 = arith.constant 1 : i32
        %parallel_loop3A_47 = vector.broadcast %parallel_loop3A_46 : i32 to vector<16xi32>
        %parallel_loop3A_48 = arith.addi %parallel_loop3A_31, %parallel_loop3A_47 : vector<16xi32>
        %parallel_loop3A_49 = tpu.vector_load_idx %arg8[%parallel_loop3A_48] : memref<40000xf32, #tpu.memory_space<vmem>>[vector<16xi32>], vector<16xf32>,
        %parallel_loop3A_50 = arith.constant 1 : i32
        %parallel_loop3A_51 = vector.broadcast %parallel_loop3A_50 : i32 to vector<16xi32>
        %parallel_loop3A_52 = arith.addi %parallel_loop3A_38, %parallel_loop3A_51 : vector<16xi32>
        tpu.vector_store_idx %arg9[%parallel_loop3A_52], %parallel_loop3A_49 {add = true} : memref<40000xf32, #tpu.memory_space<vmem>>[vector<16xi32>], vector<16xf32>,
        %parallel_loop3A_53 = arith.constant 2 : i32
        %parallel_loop3A_54 = vector.broadcast %parallel_loop3A_53 : i32 to vector<16xi32>
        %parallel_loop3A_55 = arith.addi %parallel_loop3A_31, %parallel_loop3A_54 : vector<16xi32>
        %parallel_loop3A_56 = tpu.vector_load_idx %arg8[%parallel_loop3A_55] : memref<40000xf32, #tpu.memory_space<vmem>>[vector<16xi32>], vector<16xf32>,
        %parallel_loop3A_57 = arith.constant 2 : i32
        %parallel_loop3A_58 = vector.broadcast %parallel_loop3A_57 : i32 to vector<16xi32>
        %parallel_loop3A_59 = arith.addi %parallel_loop3A_38, %parallel_loop3A_58 : vector<16xi32>
        tpu.vector_store_idx %arg9[%parallel_loop3A_59], %parallel_loop3A_56 {add = true} : memref<40000xf32, #tpu.memory_space<vmem>>[vector<16xi32>], vector<16xf32>,
        %parallel_loop3A_60 = arith.constant 3 : i32
        %parallel_loop3A_61 = vector.broadcast %parallel_loop3A_60 : i32 to vector<16xi32>
        %parallel_loop3A_62 = arith.addi %parallel_loop3A_31, %parallel_loop3A_61 : vector<16xi32>
        %parallel_loop3A_63 = tpu.vector_load_idx %arg8[%parallel_loop3A_62] : memref<40000xf32, #tpu.memory_space<vmem>>[vector<16xi32>], vector<16xf32>,
        %parallel_loop3A_64 = arith.constant 3 : i32
        %parallel_loop3A_65 = vector.broadcast %parallel_loop3A_64 : i32 to vector<16xi32>
        %parallel_loop3A_66 = arith.addi %parallel_loop3A_38, %parallel_loop3A_65 : vector<16xi32>
        tpu.vector_store_idx %arg9[%parallel_loop3A_66], %parallel_loop3A_63 {add = true} : memref<40000xf32, #tpu.memory_space<vmem>>[vector<16xi32>], vector<16xf32>,
      } {sc.loop_unroll_factor = 4 : i64, sc.parallel_access}
      %scan3A_23 = arith.constant 0 : i32
      scf.yield %scan3A_23 : i32
    }
    %scan3A_14 = arith.constant 100 : i32
    "tpu.region"() ({
      %run_scoped3A = tpu.sem_alloc : memref<!tpu.dma_semaphore, #tpu.memory_space<semaphore_mem>>
      %dma_start3A = arith.constant 0 : i32
      %dma_start3A_15 = tpu.memref_slice %arg5[%add3A, %dma_start3A] : memref<32x40000xf32, #tpu.memory_space<hbm>> -> memref<1x40000xf32, #tpu.memory_space<hbm>>
      %dma_start3A_16 = tpu.memref_squeeze %dma_start3A_15 : memref<1x40000xf32, #tpu.memory_space<hbm>> -> memref<40000xf32, #tpu.memory_space<hbm>>
      %dma_start3A_17 = arith.constant 0 : i32
      %dma_start3A_18 = tpu.memref_slice %arg5[%add3A, %dma_start3A_17] : memref<32x40000xf32, #tpu.memory_space<hbm>> -> memref<1x40000xf32, #tpu.memory_space<hbm>>
      %dma_start3A_19 = tpu.memref_squeeze %dma_start3A_18 : memref<1x40000xf32, #tpu.memory_space<hbm>> -> memref<40000xf32, #tpu.memory_space<hbm>>
      tpu.enqueue_dma source(%arg9 : memref<40000xf32, #tpu.memory_space<vmem>>) target(%dma_start3A_19 : memref<40000xf32, #tpu.memory_space<hbm>>) target_semaphore(%run_scoped3A : memref<!tpu.dma_semaphore, #tpu.memory_space<semaphore_mem>>)
      %dma_wait3A = arith.constant 0 : i32
      %dma_wait3A_20 = tpu.memref_slice %arg5[%add3A, %dma_wait3A] : memref<32x40000xf32, #tpu.memory_space<hbm>> -> memref<1x40000xf32, #tpu.memory_space<hbm>>
      %dma_wait3A_21 = tpu.memref_squeeze %dma_wait3A_20 : memref<1x40000xf32, #tpu.memory_space<hbm>> -> memref<40000xf32, #tpu.memory_space<hbm>>
      %dma_wait3A_22 = arith.constant 0 : i32
      %dma_wait3A_23 = tpu.memref_slice %arg5[%add3A, %dma_wait3A_22] : memref<32x40000xf32, #tpu.memory_space<hbm>> -> memref<1x40000xf32, #tpu.memory_space<hbm>>
      %dma_wait3A_24 = tpu.memref_squeeze %dma_wait3A_23 : memref<1x40000xf32, #tpu.memory_space<hbm>> -> memref<40000xf32, #tpu.memory_space<hbm>>
      tpu.wait_dma2 semaphore(%run_scoped3A : memref<!tpu.dma_semaphore, #tpu.memory_space<semaphore_mem>>) src(%arg9 : memref<40000xf32, #tpu.memory_space<vmem>>) dst(%dma_wait3A_24 : memref<40000xf32, #tpu.memory_space<hbm>>)
      tpu.yield
    }) : () -> ()
    return
  }
}

#map = affine_map<(d0, d1) -> (0, 0)>
#map1 = affine_map<(d0, d1) -> (0)>
module attributes {stable_mosaic.version = 14 : i64} {
  func.func @_agg_body(%arg0: i32, %arg1: i32, %arg2: memref<32x40000xf32, #tpu.memory_space<hbm>>, %arg3: memref<320000xi32, #tpu.memory_space<hbm>>, %arg4: memref<320000xi32, #tpu.memory_space<hbm>>, %arg5: memref<32x40000xf32, #tpu.memory_space<hbm>>, %arg6: memref<3200xi32, #tpu.memory_space<vmem>>, %arg7: memref<3200xi32, #tpu.memory_space<vmem>>, %arg8: memref<40000xf32, #tpu.memory_space<vmem>>, %arg9: memref<40000xf32, #tpu.memory_space<vmem>>) attributes {dimension_semantics = [#tpu.dimension_semantics<core_parallel>, #tpu.dimension_semantics<subcore_parallel>], iteration_bounds = array<i64: 2, 16>, scalar_prefetch = 0 : i64, scratch_operands = 4 : i64, tpu.core_type = #tpu.core_type<sc_vector_subcore>, window_params = [{transform_indices = #map}, {transform_indices = #map1}, {transform_indices = #map1}, {transform_indices = #map}]} {
    %mul3A = arith.constant 16 : i32
    %mul3A_0 = arith.muli %arg0, %mul3A : i32
    %add3A = arith.addi %mul3A_0, %arg1 : i32
    %broadcast_in_dim3A = arith.constant 0.000000e+00 : f32
    %broadcast_in_dim3A_1 = vector.broadcast %broadcast_in_dim3A : f32 to vector<16xf32>
    %scan3A = arith.constant 0 : i32
    %scan3A_2 = arith.constant 0 : i32
    %scan3A_3 = arith.constant 2500 : i32
    %scan3A_4 = arith.addi %scan3A_2, %scan3A_3 : i32
    %scan3A_5 = arith.constant 1 : i32
    %scan3A_6 = scf.for %scan3A_15 = %scan3A_2 to %scan3A_4 step %scan3A_5 iter_args(%scan3A_16 = %scan3A) -> (i32)  : i32 {
      %mul3A_17 = arith.constant 16 : i32
      %mul3A_18 = arith.muli %scan3A_15, %mul3A_17 : i32
      %swap3A = arith.index_cast %mul3A_18 : i32 to index
      %swap3A_19 = tpu.vector_load %arg9[%swap3A] {strides = array<i32>} : memref<40000xf32, #tpu.memory_space<vmem>>, vector<16xf32>,
      tpu.vector_store %arg9[%swap3A], %broadcast_in_dim3A_1 {strides = array<i32>} : memref<40000xf32, #tpu.memory_space<vmem>>, vector<16xf32>,
      %scan3A_20 = arith.constant 0 : i32
      scf.yield %scan3A_20 : i32
    }
    %scan3A_7 = arith.constant 2500 : i32
    "tpu.region"() ({
      %run_scoped3A = tpu.sem_alloc : memref<!tpu.dma_semaphore, #tpu.memory_space<semaphore_mem>>
      %dma_start3A = arith.constant 0 : i32
      %dma_start3A_15 = tpu.memref_slice %arg2[%add3A, %dma_start3A] : memref<32x40000xf32, #tpu.memory_space<hbm>> -> memref<1x40000xf32, #tpu.memory_space<hbm>>
      %dma_start3A_16 = tpu.memref_squeeze %dma_start3A_15 : memref<1x40000xf32, #tpu.memory_space<hbm>> -> memref<40000xf32, #tpu.memory_space<hbm>>
      %dma_start3A_17 = arith.constant 0 : i32
      %dma_start3A_18 = tpu.memref_slice %arg2[%add3A, %dma_start3A_17] : memref<32x40000xf32, #tpu.memory_space<hbm>> -> memref<1x40000xf32, #tpu.memory_space<hbm>>
      %dma_start3A_19 = tpu.memref_squeeze %dma_start3A_18 : memref<1x40000xf32, #tpu.memory_space<hbm>> -> memref<40000xf32, #tpu.memory_space<hbm>>
      tpu.enqueue_dma source(%dma_start3A_19 : memref<40000xf32, #tpu.memory_space<hbm>>) target(%arg8 : memref<40000xf32, #tpu.memory_space<vmem>>) target_semaphore(%run_scoped3A : memref<!tpu.dma_semaphore, #tpu.memory_space<semaphore_mem>>)
      %dma_wait3A = arith.constant 0 : i32
      %dma_wait3A_20 = tpu.memref_slice %arg2[%add3A, %dma_wait3A] : memref<32x40000xf32, #tpu.memory_space<hbm>> -> memref<1x40000xf32, #tpu.memory_space<hbm>>
      %dma_wait3A_21 = tpu.memref_squeeze %dma_wait3A_20 : memref<1x40000xf32, #tpu.memory_space<hbm>> -> memref<40000xf32, #tpu.memory_space<hbm>>
      %dma_wait3A_22 = arith.constant 0 : i32
      %dma_wait3A_23 = tpu.memref_slice %arg2[%add3A, %dma_wait3A_22] : memref<32x40000xf32, #tpu.memory_space<hbm>> -> memref<1x40000xf32, #tpu.memory_space<hbm>>
      %dma_wait3A_24 = tpu.memref_squeeze %dma_wait3A_23 : memref<1x40000xf32, #tpu.memory_space<hbm>> -> memref<40000xf32, #tpu.memory_space<hbm>>
      tpu.wait_dma2 semaphore(%run_scoped3A : memref<!tpu.dma_semaphore, #tpu.memory_space<semaphore_mem>>) src(%dma_wait3A_24 : memref<40000xf32, #tpu.memory_space<hbm>>) dst(%arg8 : memref<40000xf32, #tpu.memory_space<vmem>>)
      tpu.yield
    }) : () -> ()
    %scan3A_8 = arith.constant 0 : i32
    %scan3A_9 = arith.constant 0 : i32
    %scan3A_10 = arith.constant 100 : i32
    %scan3A_11 = arith.addi %scan3A_9, %scan3A_10 : i32
    %scan3A_12 = arith.constant 1 : i32
    %scan3A_13 = scf.for %scan3A_15 = %scan3A_9 to %scan3A_11 step %scan3A_12 iter_args(%scan3A_16 = %scan3A_8) -> (i32)  : i32 {
      %mul3A_17 = arith.constant 3200 : i32
      %mul3A_18 = arith.muli %scan3A_15, %mul3A_17 : i32
      "tpu.region"() ({
        %run_scoped3A = tpu.sem_alloc : memref<!tpu.dma_semaphore, #tpu.memory_space<semaphore_mem>>
        %dma_start3A = tpu.memref_slice %arg3[%mul3A_18] : memref<320000xi32, #tpu.memory_space<hbm>> -> memref<3200xi32, #tpu.memory_space<hbm>>
        %dma_start3A_24 = tpu.memref_slice %arg3[%mul3A_18] : memref<320000xi32, #tpu.memory_space<hbm>> -> memref<3200xi32, #tpu.memory_space<hbm>>
        tpu.enqueue_dma source(%dma_start3A_24 : memref<3200xi32, #tpu.memory_space<hbm>>) target(%arg6 : memref<3200xi32, #tpu.memory_space<vmem>>) target_semaphore(%run_scoped3A : memref<!tpu.dma_semaphore, #tpu.memory_space<semaphore_mem>>)
        %dma_wait3A = tpu.memref_slice %arg3[%mul3A_18] : memref<320000xi32, #tpu.memory_space<hbm>> -> memref<3200xi32, #tpu.memory_space<hbm>>
        %dma_wait3A_25 = tpu.memref_slice %arg3[%mul3A_18] : memref<320000xi32, #tpu.memory_space<hbm>> -> memref<3200xi32, #tpu.memory_space<hbm>>
        tpu.wait_dma2 semaphore(%run_scoped3A : memref<!tpu.dma_semaphore, #tpu.memory_space<semaphore_mem>>) src(%dma_wait3A_25 : memref<3200xi32, #tpu.memory_space<hbm>>) dst(%arg6 : memref<3200xi32, #tpu.memory_space<vmem>>)
        tpu.yield
      }) : () -> ()
      %mul3A_19 = arith.constant 3200 : i32
      %mul3A_20 = arith.muli %scan3A_15, %mul3A_19 : i32
      "tpu.region"() ({
        %run_scoped3A = tpu.sem_alloc : memref<!tpu.dma_semaphore, #tpu.memory_space<semaphore_mem>>
        %dma_start3A = tpu.memref_slice %arg4[%mul3A_20] : memref<320000xi32, #tpu.memory_space<hbm>> -> memref<3200xi32, #tpu.memory_space<hbm>>
        %dma_start3A_24 = tpu.memref_slice %arg4[%mul3A_20] : memref<320000xi32, #tpu.memory_space<hbm>> -> memref<3200xi32, #tpu.memory_space<hbm>>
        tpu.enqueue_dma source(%dma_start3A_24 : memref<3200xi32, #tpu.memory_space<hbm>>) target(%arg7 : memref<3200xi32, #tpu.memory_space<vmem>>) target_semaphore(%run_scoped3A : memref<!tpu.dma_semaphore, #tpu.memory_space<semaphore_mem>>)
        %dma_wait3A = tpu.memref_slice %arg4[%mul3A_20] : memref<320000xi32, #tpu.memory_space<hbm>> -> memref<3200xi32, #tpu.memory_space<hbm>>
        %dma_wait3A_25 = tpu.memref_slice %arg4[%mul3A_20] : memref<320000xi32, #tpu.memory_space<hbm>> -> memref<3200xi32, #tpu.memory_space<hbm>>
        tpu.wait_dma2 semaphore(%run_scoped3A : memref<!tpu.dma_semaphore, #tpu.memory_space<semaphore_mem>>) src(%dma_wait3A_25 : memref<3200xi32, #tpu.memory_space<hbm>>) dst(%arg7 : memref<3200xi32, #tpu.memory_space<vmem>>)
        tpu.yield
      }) : () -> ()
      %parallel_loop3A = arith.constant 0 : i32
      %parallel_loop3A_21 = arith.constant 200 : i32
      %parallel_loop3A_22 = arith.constant 1 : i32
      scf.for %parallel_loop3A_24 = %parallel_loop3A to %parallel_loop3A_21 step %parallel_loop3A_22  : i32 {
        %parallel_loop3A_25 = arith.constant 16 : i32
        %parallel_loop3A_26 = arith.muli %parallel_loop3A_24, %parallel_loop3A_25 : i32
        %parallel_loop3A_27 = arith.index_cast %parallel_loop3A_26 : i32 to index
        %parallel_loop3A_28 = tpu.vector_load %arg6[%parallel_loop3A_27] {strides = array<i32>} : memref<3200xi32, #tpu.memory_space<vmem>>, vector<16xi32>,
        %parallel_loop3A_29 = arith.constant 4 : i32
        %parallel_loop3A_30 = vector.broadcast %parallel_loop3A_29 : i32 to vector<16xi32>
        %parallel_loop3A_31 = arith.muli %parallel_loop3A_28, %parallel_loop3A_30 : vector<16xi32>
        %parallel_loop3A_32 = arith.constant 16 : i32
        %parallel_loop3A_33 = arith.muli %parallel_loop3A_24, %parallel_loop3A_32 : i32
        %parallel_loop3A_34 = arith.index_cast %parallel_loop3A_33 : i32 to index
        %parallel_loop3A_35 = tpu.vector_load %arg7[%parallel_loop3A_34] {strides = array<i32>} : memref<3200xi32, #tpu.memory_space<vmem>>, vector<16xi32>,
        %parallel_loop3A_36 = arith.constant 4 : i32
        %parallel_loop3A_37 = vector.broadcast %parallel_loop3A_36 : i32 to vector<16xi32>
        %parallel_loop3A_38 = arith.muli %parallel_loop3A_35, %parallel_loop3A_37 : vector<16xi32>
        %parallel_loop3A_39 = arith.constant 0 : i32
        %parallel_loop3A_40 = vector.broadcast %parallel_loop3A_39 : i32 to vector<16xi32>
        %parallel_loop3A_41 = arith.addi %parallel_loop3A_31, %parallel_loop3A_40 : vector<16xi32>
        %parallel_loop3A_42 = tpu.vector_load_idx %arg8[%parallel_loop3A_41] : memref<40000xf32, #tpu.memory_space<vmem>>[vector<16xi32>], vector<16xf32>,
        %parallel_loop3A_43 = arith.constant 0 : i32
        %parallel_loop3A_44 = vector.broadcast %parallel_loop3A_43 : i32 to vector<16xi32>
        %parallel_loop3A_45 = arith.addi %parallel_loop3A_38, %parallel_loop3A_44 : vector<16xi32>
        tpu.vector_store_idx %arg9[%parallel_loop3A_45], %parallel_loop3A_42 {add = true} : memref<40000xf32, #tpu.memory_space<vmem>>[vector<16xi32>], vector<16xf32>,
        %parallel_loop3A_46 = arith.constant 1 : i32
        %parallel_loop3A_47 = vector.broadcast %parallel_loop3A_46 : i32 to vector<16xi32>
        %parallel_loop3A_48 = arith.addi %parallel_loop3A_31, %parallel_loop3A_47 : vector<16xi32>
        %parallel_loop3A_49 = tpu.vector_load_idx %arg8[%parallel_loop3A_48] : memref<40000xf32, #tpu.memory_space<vmem>>[vector<16xi32>], vector<16xf32>,
        %parallel_loop3A_50 = arith.constant 1 : i32
        %parallel_loop3A_51 = vector.broadcast %parallel_loop3A_50 : i32 to vector<16xi32>
        %parallel_loop3A_52 = arith.addi %parallel_loop3A_38, %parallel_loop3A_51 : vector<16xi32>
        tpu.vector_store_idx %arg9[%parallel_loop3A_52], %parallel_loop3A_49 {add = true} : memref<40000xf32, #tpu.memory_space<vmem>>[vector<16xi32>], vector<16xf32>,
        %parallel_loop3A_53 = arith.constant 2 : i32
        %parallel_loop3A_54 = vector.broadcast %parallel_loop3A_53 : i32 to vector<16xi32>
        %parallel_loop3A_55 = arith.addi %parallel_loop3A_31, %parallel_loop3A_54 : vector<16xi32>
        %parallel_loop3A_56 = tpu.vector_load_idx %arg8[%parallel_loop3A_55] : memref<40000xf32, #tpu.memory_space<vmem>>[vector<16xi32>], vector<16xf32>,
        %parallel_loop3A_57 = arith.constant 2 : i32
        %parallel_loop3A_58 = vector.broadcast %parallel_loop3A_57 : i32 to vector<16xi32>
        %parallel_loop3A_59 = arith.addi %parallel_loop3A_38, %parallel_loop3A_58 : vector<16xi32>
        tpu.vector_store_idx %arg9[%parallel_loop3A_59], %parallel_loop3A_56 {add = true} : memref<40000xf32, #tpu.memory_space<vmem>>[vector<16xi32>], vector<16xf32>,
        %parallel_loop3A_60 = arith.constant 3 : i32
        %parallel_loop3A_61 = vector.broadcast %parallel_loop3A_60 : i32 to vector<16xi32>
        %parallel_loop3A_62 = arith.addi %parallel_loop3A_31, %parallel_loop3A_61 : vector<16xi32>
        %parallel_loop3A_63 = tpu.vector_load_idx %arg8[%parallel_loop3A_62] : memref<40000xf32, #tpu.memory_space<vmem>>[vector<16xi32>], vector<16xf32>,
        %parallel_loop3A_64 = arith.constant 3 : i32
        %parallel_loop3A_65 = vector.broadcast %parallel_loop3A_64 : i32 to vector<16xi32>
        %parallel_loop3A_66 = arith.addi %parallel_loop3A_38, %parallel_loop3A_65 : vector<16xi32>
        tpu.vector_store_idx %arg9[%parallel_loop3A_66], %parallel_loop3A_63 {add = true} : memref<40000xf32, #tpu.memory_space<vmem>>[vector<16xi32>], vector<16xf32>,
      } {sc.loop_unroll_factor = 4 : i64, sc.parallel_access}
      %scan3A_23 = arith.constant 0 : i32
      scf.yield %scan3A_23 : i32
    }
    %scan3A_14 = arith.constant 100 : i32
    "tpu.region"() ({
      %run_scoped3A = tpu.sem_alloc : memref<!tpu.dma_semaphore, #tpu.memory_space<semaphore_mem>>
      %dma_start3A = arith.constant 0 : i32
      %dma_start3A_15 = tpu.memref_slice %arg5[%add3A, %dma_start3A] : memref<32x40000xf32, #tpu.memory_space<hbm>> -> memref<1x40000xf32, #tpu.memory_space<hbm>>
      %dma_start3A_16 = tpu.memref_squeeze %dma_start3A_15 : memref<1x40000xf32, #tpu.memory_space<hbm>> -> memref<40000xf32, #tpu.memory_space<hbm>>
      %dma_start3A_17 = arith.constant 0 : i32
      %dma_start3A_18 = tpu.memref_slice %arg5[%add3A, %dma_start3A_17] : memref<32x40000xf32, #tpu.memory_space<hbm>> -> memref<1x40000xf32, #tpu.memory_space<hbm>>
      %dma_start3A_19 = tpu.memref_squeeze %dma_start3A_18 : memref<1x40000xf32, #tpu.memory_space<hbm>> -> memref<40000xf32, #tpu.memory_space<hbm>>
      tpu.enqueue_dma source(%arg9 : memref<40000xf32, #tpu.memory_space<vmem>>) target(%dma_start3A_19 : memref<40000xf32, #tpu.memory_space<hbm>>) target_semaphore(%run_scoped3A : memref<!tpu.dma_semaphore, #tpu.memory_space<semaphore_mem>>)
      %dma_wait3A = arith.constant 0 : i32
      %dma_wait3A_20 = tpu.memref_slice %arg5[%add3A, %dma_wait3A] : memref<32x40000xf32, #tpu.memory_space<hbm>> -> memref<1x40000xf32, #tpu.memory_space<hbm>>
      %dma_wait3A_21 = tpu.memref_squeeze %dma_wait3A_20 : memref<1x40000xf32, #tpu.memory_space<hbm>> -> memref<40000xf32, #tpu.memory_space<hbm>>
      %dma_wait3A_22 = arith.constant 0 : i32
      %dma_wait3A_23 = tpu.memref_slice %arg5[%add3A, %dma_wait3A_22] : memref<32x40000xf32, #tpu.memory_space<hbm>> -> memref<1x40000xf32, #tpu.memory_space<hbm>>
      %dma_wait3A_24 = tpu.memref_squeeze %dma_wait3A_23 : memref<1x40000xf32, #tpu.memory_space<hbm>> -> memref<40000xf32, #tpu.memory_space<hbm>>
      tpu.wait_dma2 semaphore(%run_scoped3A : memref<!tpu.dma_semaphore, #tpu.memory_space<semaphore_mem>>) src(%arg9 : memref<40000xf32, #tpu.memory_space<vmem>>) dst(%dma_wait3A_24 : memref<40000xf32, #tpu.memory_space<hbm>>)
      tpu.yield
    }) : () -> ()
    return
  }
}

#map = affine_map<(d0, d1) -> (0, 0)>
#map1 = affine_map<(d0, d1) -> (0)>
module attributes {stable_mosaic.version = 14 : i64} {
  func.func @_agg_body(%arg0: i32, %arg1: i32, %arg2: memref<32x40000xf32, #tpu.memory_space<hbm>>, %arg3: memref<320000xi32, #tpu.memory_space<hbm>>, %arg4: memref<320000xi32, #tpu.memory_space<hbm>>, %arg5: memref<32x40000xf32, #tpu.memory_space<hbm>>, %arg6: memref<3200xi32, #tpu.memory_space<vmem>>, %arg7: memref<3200xi32, #tpu.memory_space<vmem>>, %arg8: memref<40000xf32, #tpu.memory_space<vmem>>, %arg9: memref<40000xf32, #tpu.memory_space<vmem>>) attributes {dimension_semantics = [#tpu.dimension_semantics<core_parallel>, #tpu.dimension_semantics<subcore_parallel>], iteration_bounds = array<i64: 2, 16>, scalar_prefetch = 0 : i64, scratch_operands = 4 : i64, tpu.core_type = #tpu.core_type<sc_vector_subcore>, window_params = [{transform_indices = #map}, {transform_indices = #map1}, {transform_indices = #map1}, {transform_indices = #map}]} {
    %mul3A = arith.constant 16 : i32
    %mul3A_0 = arith.muli %arg0, %mul3A : i32
    %add3A = arith.addi %mul3A_0, %arg1 : i32
    %broadcast_in_dim3A = arith.constant 0.000000e+00 : f32
    %broadcast_in_dim3A_1 = vector.broadcast %broadcast_in_dim3A : f32 to vector<16xf32>
    %scan3A = arith.constant 0 : i32
    %scan3A_2 = arith.constant 0 : i32
    %scan3A_3 = arith.constant 2500 : i32
    %scan3A_4 = arith.addi %scan3A_2, %scan3A_3 : i32
    %scan3A_5 = arith.constant 1 : i32
    %scan3A_6 = scf.for %scan3A_15 = %scan3A_2 to %scan3A_4 step %scan3A_5 iter_args(%scan3A_16 = %scan3A) -> (i32)  : i32 {
      %mul3A_17 = arith.constant 16 : i32
      %mul3A_18 = arith.muli %scan3A_15, %mul3A_17 : i32
      %swap3A = arith.index_cast %mul3A_18 : i32 to index
      %swap3A_19 = tpu.vector_load %arg9[%swap3A] {strides = array<i32>} : memref<40000xf32, #tpu.memory_space<vmem>>, vector<16xf32>,
      tpu.vector_store %arg9[%swap3A], %broadcast_in_dim3A_1 {strides = array<i32>} : memref<40000xf32, #tpu.memory_space<vmem>>, vector<16xf32>,
      %scan3A_20 = arith.constant 0 : i32
      scf.yield %scan3A_20 : i32
    }
    %scan3A_7 = arith.constant 2500 : i32
    "tpu.region"() ({
      %run_scoped3A = tpu.sem_alloc : memref<!tpu.dma_semaphore, #tpu.memory_space<semaphore_mem>>
      %dma_start3A = arith.constant 0 : i32
      %dma_start3A_15 = tpu.memref_slice %arg2[%add3A, %dma_start3A] : memref<32x40000xf32, #tpu.memory_space<hbm>> -> memref<1x40000xf32, #tpu.memory_space<hbm>>
      %dma_start3A_16 = tpu.memref_squeeze %dma_start3A_15 : memref<1x40000xf32, #tpu.memory_space<hbm>> -> memref<40000xf32, #tpu.memory_space<hbm>>
      %dma_start3A_17 = arith.constant 0 : i32
      %dma_start3A_18 = tpu.memref_slice %arg2[%add3A, %dma_start3A_17] : memref<32x40000xf32, #tpu.memory_space<hbm>> -> memref<1x40000xf32, #tpu.memory_space<hbm>>
      %dma_start3A_19 = tpu.memref_squeeze %dma_start3A_18 : memref<1x40000xf32, #tpu.memory_space<hbm>> -> memref<40000xf32, #tpu.memory_space<hbm>>
      tpu.enqueue_dma source(%dma_start3A_19 : memref<40000xf32, #tpu.memory_space<hbm>>) target(%arg8 : memref<40000xf32, #tpu.memory_space<vmem>>) target_semaphore(%run_scoped3A : memref<!tpu.dma_semaphore, #tpu.memory_space<semaphore_mem>>)
      %dma_wait3A = arith.constant 0 : i32
      %dma_wait3A_20 = tpu.memref_slice %arg2[%add3A, %dma_wait3A] : memref<32x40000xf32, #tpu.memory_space<hbm>> -> memref<1x40000xf32, #tpu.memory_space<hbm>>
      %dma_wait3A_21 = tpu.memref_squeeze %dma_wait3A_20 : memref<1x40000xf32, #tpu.memory_space<hbm>> -> memref<40000xf32, #tpu.memory_space<hbm>>
      %dma_wait3A_22 = arith.constant 0 : i32
      %dma_wait3A_23 = tpu.memref_slice %arg2[%add3A, %dma_wait3A_22] : memref<32x40000xf32, #tpu.memory_space<hbm>> -> memref<1x40000xf32, #tpu.memory_space<hbm>>
      %dma_wait3A_24 = tpu.memref_squeeze %dma_wait3A_23 : memref<1x40000xf32, #tpu.memory_space<hbm>> -> memref<40000xf32, #tpu.memory_space<hbm>>
      tpu.wait_dma2 semaphore(%run_scoped3A : memref<!tpu.dma_semaphore, #tpu.memory_space<semaphore_mem>>) src(%dma_wait3A_24 : memref<40000xf32, #tpu.memory_space<hbm>>) dst(%arg8 : memref<40000xf32, #tpu.memory_space<vmem>>)
      tpu.yield
    }) : () -> ()
    %scan3A_8 = arith.constant 0 : i32
    %scan3A_9 = arith.constant 0 : i32
    %scan3A_10 = arith.constant 100 : i32
    %scan3A_11 = arith.addi %scan3A_9, %scan3A_10 : i32
    %scan3A_12 = arith.constant 1 : i32
    %scan3A_13 = scf.for %scan3A_15 = %scan3A_9 to %scan3A_11 step %scan3A_12 iter_args(%scan3A_16 = %scan3A_8) -> (i32)  : i32 {
      %mul3A_17 = arith.constant 3200 : i32
      %mul3A_18 = arith.muli %scan3A_15, %mul3A_17 : i32
      "tpu.region"() ({
        %run_scoped3A = tpu.sem_alloc : memref<!tpu.dma_semaphore, #tpu.memory_space<semaphore_mem>>
        %dma_start3A = tpu.memref_slice %arg3[%mul3A_18] : memref<320000xi32, #tpu.memory_space<hbm>> -> memref<3200xi32, #tpu.memory_space<hbm>>
        %dma_start3A_24 = tpu.memref_slice %arg3[%mul3A_18] : memref<320000xi32, #tpu.memory_space<hbm>> -> memref<3200xi32, #tpu.memory_space<hbm>>
        tpu.enqueue_dma source(%dma_start3A_24 : memref<3200xi32, #tpu.memory_space<hbm>>) target(%arg6 : memref<3200xi32, #tpu.memory_space<vmem>>) target_semaphore(%run_scoped3A : memref<!tpu.dma_semaphore, #tpu.memory_space<semaphore_mem>>)
        %dma_wait3A = tpu.memref_slice %arg3[%mul3A_18] : memref<320000xi32, #tpu.memory_space<hbm>> -> memref<3200xi32, #tpu.memory_space<hbm>>
        %dma_wait3A_25 = tpu.memref_slice %arg3[%mul3A_18] : memref<320000xi32, #tpu.memory_space<hbm>> -> memref<3200xi32, #tpu.memory_space<hbm>>
        tpu.wait_dma2 semaphore(%run_scoped3A : memref<!tpu.dma_semaphore, #tpu.memory_space<semaphore_mem>>) src(%dma_wait3A_25 : memref<3200xi32, #tpu.memory_space<hbm>>) dst(%arg6 : memref<3200xi32, #tpu.memory_space<vmem>>)
        tpu.yield
      }) : () -> ()
      %mul3A_19 = arith.constant 3200 : i32
      %mul3A_20 = arith.muli %scan3A_15, %mul3A_19 : i32
      "tpu.region"() ({
        %run_scoped3A = tpu.sem_alloc : memref<!tpu.dma_semaphore, #tpu.memory_space<semaphore_mem>>
        %dma_start3A = tpu.memref_slice %arg4[%mul3A_20] : memref<320000xi32, #tpu.memory_space<hbm>> -> memref<3200xi32, #tpu.memory_space<hbm>>
        %dma_start3A_24 = tpu.memref_slice %arg4[%mul3A_20] : memref<320000xi32, #tpu.memory_space<hbm>> -> memref<3200xi32, #tpu.memory_space<hbm>>
        tpu.enqueue_dma source(%dma_start3A_24 : memref<3200xi32, #tpu.memory_space<hbm>>) target(%arg7 : memref<3200xi32, #tpu.memory_space<vmem>>) target_semaphore(%run_scoped3A : memref<!tpu.dma_semaphore, #tpu.memory_space<semaphore_mem>>)
        %dma_wait3A = tpu.memref_slice %arg4[%mul3A_20] : memref<320000xi32, #tpu.memory_space<hbm>> -> memref<3200xi32, #tpu.memory_space<hbm>>
        %dma_wait3A_25 = tpu.memref_slice %arg4[%mul3A_20] : memref<320000xi32, #tpu.memory_space<hbm>> -> memref<3200xi32, #tpu.memory_space<hbm>>
        tpu.wait_dma2 semaphore(%run_scoped3A : memref<!tpu.dma_semaphore, #tpu.memory_space<semaphore_mem>>) src(%dma_wait3A_25 : memref<3200xi32, #tpu.memory_space<hbm>>) dst(%arg7 : memref<3200xi32, #tpu.memory_space<vmem>>)
        tpu.yield
      }) : () -> ()
      %parallel_loop3A = arith.constant 0 : i32
      %parallel_loop3A_21 = arith.constant 200 : i32
      %parallel_loop3A_22 = arith.constant 1 : i32
      scf.for %parallel_loop3A_24 = %parallel_loop3A to %parallel_loop3A_21 step %parallel_loop3A_22  : i32 {
        %parallel_loop3A_25 = arith.constant 16 : i32
        %parallel_loop3A_26 = arith.muli %parallel_loop3A_24, %parallel_loop3A_25 : i32
        %parallel_loop3A_27 = arith.index_cast %parallel_loop3A_26 : i32 to index
        %parallel_loop3A_28 = tpu.vector_load %arg6[%parallel_loop3A_27] {strides = array<i32>} : memref<3200xi32, #tpu.memory_space<vmem>>, vector<16xi32>,
        %parallel_loop3A_29 = arith.constant 4 : i32
        %parallel_loop3A_30 = vector.broadcast %parallel_loop3A_29 : i32 to vector<16xi32>
        %parallel_loop3A_31 = arith.muli %parallel_loop3A_28, %parallel_loop3A_30 : vector<16xi32>
        %parallel_loop3A_32 = arith.constant 16 : i32
        %parallel_loop3A_33 = arith.muli %parallel_loop3A_24, %parallel_loop3A_32 : i32
        %parallel_loop3A_34 = arith.index_cast %parallel_loop3A_33 : i32 to index
        %parallel_loop3A_35 = tpu.vector_load %arg7[%parallel_loop3A_34] {strides = array<i32>} : memref<3200xi32, #tpu.memory_space<vmem>>, vector<16xi32>,
        %parallel_loop3A_36 = arith.constant 4 : i32
        %parallel_loop3A_37 = vector.broadcast %parallel_loop3A_36 : i32 to vector<16xi32>
        %parallel_loop3A_38 = arith.muli %parallel_loop3A_35, %parallel_loop3A_37 : vector<16xi32>
        %parallel_loop3A_39 = arith.constant 0 : i32
        %parallel_loop3A_40 = vector.broadcast %parallel_loop3A_39 : i32 to vector<16xi32>
        %parallel_loop3A_41 = arith.addi %parallel_loop3A_31, %parallel_loop3A_40 : vector<16xi32>
        %parallel_loop3A_42 = tpu.vector_load_idx %arg8[%parallel_loop3A_41] : memref<40000xf32, #tpu.memory_space<vmem>>[vector<16xi32>], vector<16xf32>,
        %parallel_loop3A_43 = arith.constant 0 : i32
        %parallel_loop3A_44 = vector.broadcast %parallel_loop3A_43 : i32 to vector<16xi32>
        %parallel_loop3A_45 = arith.addi %parallel_loop3A_38, %parallel_loop3A_44 : vector<16xi32>
        tpu.vector_store_idx %arg9[%parallel_loop3A_45], %parallel_loop3A_42 {add = true} : memref<40000xf32, #tpu.memory_space<vmem>>[vector<16xi32>], vector<16xf32>,
        %parallel_loop3A_46 = arith.constant 1 : i32
        %parallel_loop3A_47 = vector.broadcast %parallel_loop3A_46 : i32 to vector<16xi32>
        %parallel_loop3A_48 = arith.addi %parallel_loop3A_31, %parallel_loop3A_47 : vector<16xi32>
        %parallel_loop3A_49 = tpu.vector_load_idx %arg8[%parallel_loop3A_48] : memref<40000xf32, #tpu.memory_space<vmem>>[vector<16xi32>], vector<16xf32>,
        %parallel_loop3A_50 = arith.constant 1 : i32
        %parallel_loop3A_51 = vector.broadcast %parallel_loop3A_50 : i32 to vector<16xi32>
        %parallel_loop3A_52 = arith.addi %parallel_loop3A_38, %parallel_loop3A_51 : vector<16xi32>
        tpu.vector_store_idx %arg9[%parallel_loop3A_52], %parallel_loop3A_49 {add = true} : memref<40000xf32, #tpu.memory_space<vmem>>[vector<16xi32>], vector<16xf32>,
        %parallel_loop3A_53 = arith.constant 2 : i32
        %parallel_loop3A_54 = vector.broadcast %parallel_loop3A_53 : i32 to vector<16xi32>
        %parallel_loop3A_55 = arith.addi %parallel_loop3A_31, %parallel_loop3A_54 : vector<16xi32>
        %parallel_loop3A_56 = tpu.vector_load_idx %arg8[%parallel_loop3A_55] : memref<40000xf32, #tpu.memory_space<vmem>>[vector<16xi32>], vector<16xf32>,
        %parallel_loop3A_57 = arith.constant 2 : i32
        %parallel_loop3A_58 = vector.broadcast %parallel_loop3A_57 : i32 to vector<16xi32>
        %parallel_loop3A_59 = arith.addi %parallel_loop3A_38, %parallel_loop3A_58 : vector<16xi32>
        tpu.vector_store_idx %arg9[%parallel_loop3A_59], %parallel_loop3A_56 {add = true} : memref<40000xf32, #tpu.memory_space<vmem>>[vector<16xi32>], vector<16xf32>,
        %parallel_loop3A_60 = arith.constant 3 : i32
        %parallel_loop3A_61 = vector.broadcast %parallel_loop3A_60 : i32 to vector<16xi32>
        %parallel_loop3A_62 = arith.addi %parallel_loop3A_31, %parallel_loop3A_61 : vector<16xi32>
        %parallel_loop3A_63 = tpu.vector_load_idx %arg8[%parallel_loop3A_62] : memref<40000xf32, #tpu.memory_space<vmem>>[vector<16xi32>], vector<16xf32>,
        %parallel_loop3A_64 = arith.constant 3 : i32
        %parallel_loop3A_65 = vector.broadcast %parallel_loop3A_64 : i32 to vector<16xi32>
        %parallel_loop3A_66 = arith.addi %parallel_loop3A_38, %parallel_loop3A_65 : vector<16xi32>
        tpu.vector_store_idx %arg9[%parallel_loop3A_66], %parallel_loop3A_63 {add = true} : memref<40000xf32, #tpu.memory_space<vmem>>[vector<16xi32>], vector<16xf32>,
      } {sc.loop_unroll_factor = 4 : i64, sc.parallel_access}
      %scan3A_23 = arith.constant 0 : i32
      scf.yield %scan3A_23 : i32
    }
    %scan3A_14 = arith.constant 100 : i32
    "tpu.region"() ({
      %run_scoped3A = tpu.sem_alloc : memref<!tpu.dma_semaphore, #tpu.memory_space<semaphore_mem>>
      %dma_start3A = arith.constant 0 : i32
      %dma_start3A_15 = tpu.memref_slice %arg5[%add3A, %dma_start3A] : memref<32x40000xf32, #tpu.memory_space<hbm>> -> memref<1x40000xf32, #tpu.memory_space<hbm>>
      %dma_start3A_16 = tpu.memref_squeeze %dma_start3A_15 : memref<1x40000xf32, #tpu.memory_space<hbm>> -> memref<40000xf32, #tpu.memory_space<hbm>>
      %dma_start3A_17 = arith.constant 0 : i32
      %dma_start3A_18 = tpu.memref_slice %arg5[%add3A, %dma_start3A_17] : memref<32x40000xf32, #tpu.memory_space<hbm>> -> memref<1x40000xf32, #tpu.memory_space<hbm>>
      %dma_start3A_19 = tpu.memref_squeeze %dma_start3A_18 : memref<1x40000xf32, #tpu.memory_space<hbm>> -> memref<40000xf32, #tpu.memory_space<hbm>>
      tpu.enqueue_dma source(%arg9 : memref<40000xf32, #tpu.memory_space<vmem>>) target(%dma_start3A_19 : memref<40000xf32, #tpu.memory_space<hbm>>) target_semaphore(%run_scoped3A : memref<!tpu.dma_semaphore, #tpu.memory_space<semaphore_mem>>)
      %dma_wait3A = arith.constant 0 : i32
      %dma_wait3A_20 = tpu.memref_slice %arg5[%add3A, %dma_wait3A] : memref<32x40000xf32, #tpu.memory_space<hbm>> -> memref<1x40000xf32, #tpu.memory_space<hbm>>
      %dma_wait3A_21 = tpu.memref_squeeze %dma_wait3A_20 : memref<1x40000xf32, #tpu.memory_space<hbm>> -> memref<40000xf32, #tpu.memory_space<hbm>>
      %dma_wait3A_22 = arith.constant 0 : i32
      %dma_wait3A_23 = tpu.memref_slice %arg5[%add3A, %dma_wait3A_22] : memref<32x40000xf32, #tpu.memory_space<hbm>> -> memref<1x40000xf32, #tpu.memory_space<hbm>>
      %dma_wait3A_24 = tpu.memref_squeeze %dma_wait3A_23 : memref<1x40000xf32, #tpu.memory_space<hbm>> -> memref<40000xf32, #tpu.memory_space<hbm>>
      tpu.wait_dma2 semaphore(%run_scoped3A : memref<!tpu.dma_semaphore, #tpu.memory_space<semaphore_mem>>) src(%arg9 : memref<40000xf32, #tpu.memory_space<vmem>>) dst(%dma_wait3A_24 : memref<40000xf32, #tpu.memory_space<hbm>>)
      tpu.yield
    }) : () -> ()
    return
  }
}

module attributes {stable_mosaic.version = 14 : i64} {
  func.func @_pre_body(%arg0: memref<10000x32xf32, #tpu.memory_space<vmem>>, %arg1: memref<10000x128xf32, #tpu.memory_space<vmem>>, %arg2: memref<128x128xf32, #tpu.memory_space<vmem>>, %arg3: memref<10000x1xf32, #tpu.memory_space<vmem>>, %arg4: memref<10000x128xf32, #tpu.memory_space<vmem>>) attributes {dimension_semantics = [], scalar_prefetch = 0 : i64, scratch_operands = 0 : i64, tpu.core_type = #tpu.core_type<tc>} {
    %get3A = arith.constant 0 : index
    %get3A_0 = arith.constant 0 : index
    %get3A_1 = vector.load %arg0[%get3A, %get3A_0] : memref<10000x32xf32, #tpu.memory_space<vmem>>, vector<10000x32xf32>
    %reduce_sum3A = arith.constant dense<0.000000e+00> : vector<10000xf32>
    %reduce_sum3A_2 = vector.multi_reduction <add>, %get3A_1, %reduce_sum3A [1] : vector<10000x32xf32> to vector<10000xf32>
    %broadcast_in_dim3A = vector.shape_cast %reduce_sum3A_2 : vector<10000xf32> to vector<10000x1xf32>
    %add3A = arith.constant 1.000000e+00 : f32
    %add3A_3 = vector.broadcast %add3A : f32 to vector<10000x1xf32>
    %add3A_4 = arith.addf %broadcast_in_dim3A, %add3A_3 : vector<10000x1xf32>
    %max3A = arith.constant 9.99999996E-13 : f32
    %max3A_5 = vector.broadcast %max3A : f32 to vector<10000x1xf32>
    %max3A_6 = arith.maximumf %add3A_4, %max3A_5 : vector<10000x1xf32>
    %rsqrt3A = math.rsqrt %max3A_6 : vector<10000x1xf32>
    %get3A_7 = arith.constant 0 : index
    %get3A_8 = arith.constant 0 : index
    %get3A_9 = vector.load %arg1[%get3A_7, %get3A_8] : memref<10000x128xf32, #tpu.memory_space<vmem>>, vector<10000x128xf32>
    %get3A_10 = arith.constant 0 : index
    %get3A_11 = arith.constant 0 : index
    %get3A_12 = vector.load %arg2[%get3A_10, %get3A_11] : memref<128x128xf32, #tpu.memory_space<vmem>>, vector<128x128xf32>
    %dot_general3A = arith.constant dense<0.000000e+00> : vector<10000x128xf32>
    %dot_general3A_13 = tpu.matmul %get3A_9, %get3A_12, %dot_general3A {dimension_numbers = #tpu.dot_dimension_numbers<[1], [0], [0], [1], [0, 0, 1, 1], [], []>, transpose_lhs_hint = false} : vector<10000x128xf32>, vector<128x128xf32>, vector<10000x128xf32> -> vector<10000x128xf32>
    %swap3A = arith.constant 0 : index
    %swap3A_14 = arith.constant 0 : index
    %swap3A_15 = vector.load %arg3[%swap3A, %swap3A_14] : memref<10000x1xf32, #tpu.memory_space<vmem>>, vector<10000x1xf32>
    tpu.vector_store %arg3[%swap3A, %swap3A_14], %rsqrt3A {strides = array<i32>} : memref<10000x1xf32, #tpu.memory_space<vmem>>, vector<10000x1xf32>,
    %mul3A = vector.broadcast %rsqrt3A : vector<10000x1xf32> to vector<10000x128xf32>
    %mul3A_16 = arith.mulf %dot_general3A_13, %mul3A : vector<10000x128xf32>
    %swap3A_17 = arith.constant 0 : index
    %swap3A_18 = arith.constant 0 : index
    %swap3A_19 = vector.load %arg4[%swap3A_17, %swap3A_18] : memref<10000x128xf32, #tpu.memory_space<vmem>>, vector<10000x128xf32>
    tpu.vector_store %arg4[%swap3A_17, %swap3A_18], %mul3A_16 {strides = array<i32>} : memref<10000x128xf32, #tpu.memory_space<vmem>>, vector<10000x128xf32>,
    return
  }
}

module attributes {stable_mosaic.version = 14 : i64} {
  func.func @_mid_body(%arg0: memref<10000x128xf32, #tpu.memory_space<vmem>>, %arg1: memref<10000x128xf32, #tpu.memory_space<vmem>>, %arg2: memref<10000x1xf32, #tpu.memory_space<vmem>>, %arg3: memref<1x128xf32, #tpu.memory_space<vmem>>, %arg4: memref<1x128xf32, #tpu.memory_space<vmem>>, %arg5: memref<128x128xf32, #tpu.memory_space<vmem>>, %arg6: memref<10000x128xf32, #tpu.memory_space<vmem>>) attributes {dimension_semantics = [], scalar_prefetch = 0 : i64, scratch_operands = 0 : i64, tpu.core_type = #tpu.core_type<tc>} {
    %get3A = arith.constant 0 : index
    %get3A_0 = arith.constant 0 : index
    %get3A_1 = vector.load %arg2[%get3A, %get3A_0] : memref<10000x1xf32, #tpu.memory_space<vmem>>, vector<10000x1xf32>
    %get3A_2 = arith.constant 0 : index
    %get3A_3 = arith.constant 0 : index
    %get3A_4 = vector.load %arg0[%get3A_2, %get3A_3] : memref<10000x128xf32, #tpu.memory_space<vmem>>, vector<10000x128xf32>
    %get3A_5 = arith.constant 0 : index
    %get3A_6 = arith.constant 0 : index
    %get3A_7 = vector.load %arg1[%get3A_5, %get3A_6] : memref<10000x128xf32, #tpu.memory_space<vmem>>, vector<10000x128xf32>
    %add3A = arith.addf %get3A_4, %get3A_7 : vector<10000x128xf32>
    %mul3A = vector.broadcast %get3A_1 : vector<10000x1xf32> to vector<10000x128xf32>
    %mul3A_8 = arith.mulf %add3A, %mul3A : vector<10000x128xf32>
    %get3A_9 = arith.constant 0 : index
    %get3A_10 = arith.constant 0 : index
    %get3A_11 = vector.load %arg3[%get3A_9, %get3A_10] : memref<1x128xf32, #tpu.memory_space<vmem>>, vector<1x128xf32>
    %get3A_12 = arith.constant 0 : index
    %get3A_13 = arith.constant 0 : index
    %get3A_14 = vector.load %arg4[%get3A_12, %get3A_13] : memref<1x128xf32, #tpu.memory_space<vmem>>, vector<1x128xf32>
    %reduce_sum3A = arith.constant dense<0.000000e+00> : vector<128xf32>
    %reduce_sum3A_15 = vector.multi_reduction <add>, %mul3A_8, %reduce_sum3A [0] : vector<10000x128xf32> to vector<128xf32>
    %div3A = arith.constant 1.000000e+04 : f32
    %div3A_16 = vector.broadcast %div3A : f32 to vector<128xf32>
    %div3A_17 = arith.divf %reduce_sum3A_15, %div3A_16 : vector<128xf32>
    %jit3A = arith.constant 0 : i32
    %reduce_sum3A_18 = arith.constant dense<0.000000e+00> : vector<128xf32>
    %reduce_sum3A_19 = vector.multi_reduction <add>, %mul3A_8, %reduce_sum3A_18 [0] : vector<10000x128xf32> to vector<128xf32>
    %broadcast_in_dim3A = vector.shape_cast %reduce_sum3A_19 : vector<128xf32> to vector<1x128xf32>
    %div3A_20 = arith.constant 1.000000e+04 : f32
    %div3A_21 = vector.broadcast %div3A_20 : f32 to vector<1x128xf32>
    %div3A_22 = arith.divf %broadcast_in_dim3A, %div3A_21 : vector<1x128xf32>
    %sub3A = vector.broadcast %div3A_22 : vector<1x128xf32> to vector<10000x128xf32>
    %sub3A_23 = arith.subf %mul3A_8, %sub3A : vector<10000x128xf32>
    %square3A = arith.mulf %sub3A_23, %sub3A_23 : vector<10000x128xf32>
    %convert_element_type3A = arith.sitofp %jit3A : i32 to f32
    %sub3A_24 = arith.constant 1.000000e+04 : f32
    %sub3A_25 = arith.subf %sub3A_24, %convert_element_type3A : f32
    %reduce_sum3A_26 = arith.constant dense<0.000000e+00> : vector<128xf32>
    %reduce_sum3A_27 = vector.multi_reduction <add>, %square3A, %reduce_sum3A_26 [0] : vector<10000x128xf32> to vector<128xf32>
    %div3A_28 = vector.broadcast %sub3A_25 : f32 to vector<128xf32>
    %div3A_29 = arith.divf %reduce_sum3A_27, %div3A_28 : vector<128xf32>
    %gt3A = arith.constant 0.000000e+00 : f32
    %gt3A_30 = arith.cmpf ogt, %sub3A_25, %gt3A : f32
    %jit3A_31 = arith.constant 0x7FC00000 : f32
    %broadcast_in_dim3A_32 = vector.broadcast %jit3A_31 : f32 to vector<128xf32>
    %select_n3A = arith.select %gt3A_30, %div3A_29, %broadcast_in_dim3A_32 : vector<128xf32>
    %broadcast_in_dim3A_33 = vector.shape_cast %div3A_17 : vector<128xf32> to vector<1x128xf32>
    %sub3A_34 = vector.broadcast %broadcast_in_dim3A_33 : vector<1x128xf32> to vector<10000x128xf32>
    %sub3A_35 = arith.subf %mul3A_8, %sub3A_34 : vector<10000x128xf32>
    %add3A_36 = arith.constant 9.99999974E-6 : f32
    %add3A_37 = vector.broadcast %add3A_36 : f32 to vector<128xf32>
    %add3A_38 = arith.addf %select_n3A, %add3A_37 : vector<128xf32>
    %rsqrt3A = math.rsqrt %add3A_38 : vector<128xf32>
    %broadcast_in_dim3A_39 = vector.shape_cast %rsqrt3A : vector<128xf32> to vector<1x128xf32>
    %mul3A_40 = vector.broadcast %broadcast_in_dim3A_39 : vector<1x128xf32> to vector<10000x128xf32>
    %mul3A_41 = arith.mulf %sub3A_35, %mul3A_40 : vector<10000x128xf32>
    %mul3A_42 = vector.broadcast %get3A_11 : vector<1x128xf32> to vector<10000x128xf32>
    %mul3A_43 = arith.mulf %mul3A_41, %mul3A_42 : vector<10000x128xf32>
    %add3A_44 = vector.broadcast %get3A_14 : vector<1x128xf32> to vector<10000x128xf32>
    %add3A_45 = arith.addf %mul3A_43, %add3A_44 : vector<10000x128xf32>
    %max3A = arith.constant 0.000000e+00 : f32
    %max3A_46 = vector.broadcast %max3A : f32 to vector<10000x128xf32>
    %max3A_47 = arith.maximumf %add3A_45, %max3A_46 : vector<10000x128xf32>
    %get3A_48 = arith.constant 0 : index
    %get3A_49 = arith.constant 0 : index
    %get3A_50 = vector.load %arg5[%get3A_48, %get3A_49] : memref<128x128xf32, #tpu.memory_space<vmem>>, vector<128x128xf32>
    %dot_general3A = arith.constant dense<0.000000e+00> : vector<10000x128xf32>
    %dot_general3A_51 = tpu.matmul %max3A_47, %get3A_50, %dot_general3A {dimension_numbers = #tpu.dot_dimension_numbers<[1], [0], [0], [1], [0, 0, 1, 1], [], []>, transpose_lhs_hint = false} : vector<10000x128xf32>, vector<128x128xf32>, vector<10000x128xf32> -> vector<10000x128xf32>
    %mul3A_52 = vector.broadcast %get3A_1 : vector<10000x1xf32> to vector<10000x128xf32>
    %mul3A_53 = arith.mulf %dot_general3A_51, %mul3A_52 : vector<10000x128xf32>
    %swap3A = arith.constant 0 : index
    %swap3A_54 = arith.constant 0 : index
    %swap3A_55 = vector.load %arg6[%swap3A, %swap3A_54] : memref<10000x128xf32, #tpu.memory_space<vmem>>, vector<10000x128xf32>
    tpu.vector_store %arg6[%swap3A, %swap3A_54], %mul3A_53 {strides = array<i32>} : memref<10000x128xf32, #tpu.memory_space<vmem>>, vector<10000x128xf32>,
    return
  }
}

module attributes {stable_mosaic.version = 14 : i64} {
  func.func @_out_body(%arg0: memref<10000x128xf32, #tpu.memory_space<vmem>>, %arg1: memref<10000x128xf32, #tpu.memory_space<vmem>>, %arg2: memref<10000x1xf32, #tpu.memory_space<vmem>>, %arg3: memref<1x128xf32, #tpu.memory_space<vmem>>, %arg4: memref<1x128xf32, #tpu.memory_space<vmem>>, %arg5: memref<128x2xf32, #tpu.memory_space<vmem>>, %arg6: memref<1x2xf32, #tpu.memory_space<vmem>>, %arg7: memref<10000x2xf32, #tpu.memory_space<vmem>>, %arg8: memref<10000x128xf32, #tpu.memory_space<vmem>>) attributes {dimension_semantics = [], scalar_prefetch = 0 : i64, scratch_operands = 0 : i64, tpu.core_type = #tpu.core_type<tc>} {
    %get3A = arith.constant 0 : index
    %get3A_0 = arith.constant 0 : index
    %get3A_1 = vector.load %arg0[%get3A, %get3A_0] : memref<10000x128xf32, #tpu.memory_space<vmem>>, vector<10000x128xf32>
    %get3A_2 = arith.constant 0 : index
    %get3A_3 = arith.constant 0 : index
    %get3A_4 = vector.load %arg1[%get3A_2, %get3A_3] : memref<10000x128xf32, #tpu.memory_space<vmem>>, vector<10000x128xf32>
    %add3A = arith.addf %get3A_1, %get3A_4 : vector<10000x128xf32>
    %get3A_5 = arith.constant 0 : index
    %get3A_6 = arith.constant 0 : index
    %get3A_7 = vector.load %arg2[%get3A_5, %get3A_6] : memref<10000x1xf32, #tpu.memory_space<vmem>>, vector<10000x1xf32>
    %mul3A = vector.broadcast %get3A_7 : vector<10000x1xf32> to vector<10000x128xf32>
    %mul3A_8 = arith.mulf %add3A, %mul3A : vector<10000x128xf32>
    %get3A_9 = arith.constant 0 : index
    %get3A_10 = arith.constant 0 : index
    %get3A_11 = vector.load %arg3[%get3A_9, %get3A_10] : memref<1x128xf32, #tpu.memory_space<vmem>>, vector<1x128xf32>
    %get3A_12 = arith.constant 0 : index
    %get3A_13 = arith.constant 0 : index
    %get3A_14 = vector.load %arg4[%get3A_12, %get3A_13] : memref<1x128xf32, #tpu.memory_space<vmem>>, vector<1x128xf32>
    %reduce_sum3A = arith.constant dense<0.000000e+00> : vector<128xf32>
    %reduce_sum3A_15 = vector.multi_reduction <add>, %mul3A_8, %reduce_sum3A [0] : vector<10000x128xf32> to vector<128xf32>
    %div3A = arith.constant 1.000000e+04 : f32
    %div3A_16 = vector.broadcast %div3A : f32 to vector<128xf32>
    %div3A_17 = arith.divf %reduce_sum3A_15, %div3A_16 : vector<128xf32>
    %jit3A = arith.constant 0 : i32
    %reduce_sum3A_18 = arith.constant dense<0.000000e+00> : vector<128xf32>
    %reduce_sum3A_19 = vector.multi_reduction <add>, %mul3A_8, %reduce_sum3A_18 [0] : vector<10000x128xf32> to vector<128xf32>
    %broadcast_in_dim3A = vector.shape_cast %reduce_sum3A_19 : vector<128xf32> to vector<1x128xf32>
    %div3A_20 = arith.constant 1.000000e+04 : f32
    %div3A_21 = vector.broadcast %div3A_20 : f32 to vector<1x128xf32>
    %div3A_22 = arith.divf %broadcast_in_dim3A, %div3A_21 : vector<1x128xf32>
    %sub3A = vector.broadcast %div3A_22 : vector<1x128xf32> to vector<10000x128xf32>
    %sub3A_23 = arith.subf %mul3A_8, %sub3A : vector<10000x128xf32>
    %square3A = arith.mulf %sub3A_23, %sub3A_23 : vector<10000x128xf32>
    %convert_element_type3A = arith.sitofp %jit3A : i32 to f32
    %sub3A_24 = arith.constant 1.000000e+04 : f32
    %sub3A_25 = arith.subf %sub3A_24, %convert_element_type3A : f32
    %reduce_sum3A_26 = arith.constant dense<0.000000e+00> : vector<128xf32>
    %reduce_sum3A_27 = vector.multi_reduction <add>, %square3A, %reduce_sum3A_26 [0] : vector<10000x128xf32> to vector<128xf32>
    %div3A_28 = vector.broadcast %sub3A_25 : f32 to vector<128xf32>
    %div3A_29 = arith.divf %reduce_sum3A_27, %div3A_28 : vector<128xf32>
    %gt3A = arith.constant 0.000000e+00 : f32
    %gt3A_30 = arith.cmpf ogt, %sub3A_25, %gt3A : f32
    %jit3A_31 = arith.constant 0x7FC00000 : f32
    %broadcast_in_dim3A_32 = vector.broadcast %jit3A_31 : f32 to vector<128xf32>
    %select_n3A = arith.select %gt3A_30, %div3A_29, %broadcast_in_dim3A_32 : vector<128xf32>
    %broadcast_in_dim3A_33 = vector.shape_cast %div3A_17 : vector<128xf32> to vector<1x128xf32>
    %sub3A_34 = vector.broadcast %broadcast_in_dim3A_33 : vector<1x128xf32> to vector<10000x128xf32>
    %sub3A_35 = arith.subf %mul3A_8, %sub3A_34 : vector<10000x128xf32>
    %add3A_36 = arith.constant 9.99999974E-6 : f32
    %add3A_37 = vector.broadcast %add3A_36 : f32 to vector<128xf32>
    %add3A_38 = arith.addf %select_n3A, %add3A_37 : vector<128xf32>
    %rsqrt3A = math.rsqrt %add3A_38 : vector<128xf32>
    %broadcast_in_dim3A_39 = vector.shape_cast %rsqrt3A : vector<128xf32> to vector<1x128xf32>
    %mul3A_40 = vector.broadcast %broadcast_in_dim3A_39 : vector<1x128xf32> to vector<10000x128xf32>
    %mul3A_41 = arith.mulf %sub3A_35, %mul3A_40 : vector<10000x128xf32>
    %mul3A_42 = vector.broadcast %get3A_11 : vector<1x128xf32> to vector<10000x128xf32>
    %mul3A_43 = arith.mulf %mul3A_41, %mul3A_42 : vector<10000x128xf32>
    %add3A_44 = vector.broadcast %get3A_14 : vector<1x128xf32> to vector<10000x128xf32>
    %add3A_45 = arith.addf %mul3A_43, %add3A_44 : vector<10000x128xf32>
    %swap3A = arith.constant 0 : index
    %swap3A_46 = arith.constant 0 : index
    %swap3A_47 = vector.load %arg8[%swap3A, %swap3A_46] : memref<10000x128xf32, #tpu.memory_space<vmem>>, vector<10000x128xf32>
    tpu.vector_store %arg8[%swap3A, %swap3A_46], %add3A_45 {strides = array<i32>} : memref<10000x128xf32, #tpu.memory_space<vmem>>, vector<10000x128xf32>,
    %get3A_48 = arith.constant 0 : index
    %get3A_49 = arith.constant 0 : index
    %get3A_50 = vector.load %arg5[%get3A_48, %get3A_49] : memref<128x2xf32, #tpu.memory_space<vmem>>, vector<128x2xf32>
    %dot_general3A = arith.constant dense<0.000000e+00> : vector<10000x2xf32>
    %dot_general3A_51 = tpu.matmul %add3A_45, %get3A_50, %dot_general3A {dimension_numbers = #tpu.dot_dimension_numbers<[1], [0], [0], [1], [0, 0, 1, 1], [], []>, transpose_lhs_hint = false} : vector<10000x128xf32>, vector<128x2xf32>, vector<10000x2xf32> -> vector<10000x2xf32>
    %get3A_52 = arith.constant 0 : index
    %get3A_53 = arith.constant 0 : index
    %get3A_54 = vector.load %arg6[%get3A_52, %get3A_53] : memref<1x2xf32, #tpu.memory_space<vmem>>, vector<1x2xf32>
    %add3A_55 = vector.broadcast %get3A_54 : vector<1x2xf32> to vector<10000x2xf32>
    %add3A_56 = arith.addf %dot_general3A_51, %add3A_55 : vector<10000x2xf32>
    %swap3A_57 = arith.constant 0 : index
    %swap3A_58 = arith.constant 0 : index
    %swap3A_59 = vector.load %arg7[%swap3A_57, %swap3A_58] : memref<10000x2xf32, #tpu.memory_space<vmem>>, vector<10000x2xf32>
    tpu.vector_store %arg7[%swap3A_57, %swap3A_58], %add3A_56 {strides = array<i32>} : memref<10000x2xf32, #tpu.memory_space<vmem>>, vector<10000x2xf32>,
    return
  }
}

</mosaic_0001>

<sc_bundles>
// kernel: kernel.10.cloned.1.call-start
scs
__scs_entry_jumppad:
0x0: {  	(pc) =	sbr.rel $0x88, $3  }
0x1: {  	(tag) =	ssettag $0x0;
	lr =	simm.s32 $0x1  }
0x2: {  	[smem:$0x3F94] =	sst lr;
	_ =	strace $0xD0000000  }
0x3: {  	_ = 	snop  }
0x4: {  	_ = 	snop  }
0x5: {  	_ = 	snop  }
0x6: {  	_ = 	snop  }
0x7: {  	_ = 	snop  }
__scs_overlays_trampoline_lowered:
0x8: {  	[smem:$0x3FA3] =	sst s0  }
0x9: {  	[smem:$0x3FA4] =	sst s1  }
0xa: {  	[smem:$0x3FA5] =	sst s2  }
0xb: {  	[smem:$0x3FA6] =	sst s3  }
0xc: {  	[smem:$0x3FA7] =	sst s4  }
0xd: {  	[smem:$0x3FA8] =	sst s5  }
0xe: {  	[smem:$0x3FA9] =	sst s6  }
0xf: {  	[smem:$0x3FAA] =	sst s7  }
0x10: {  	[smem:$0x3FAB] =	sst s8  }
0x11: {  	[smem:$0x3FAC] =	sst s9;
	s0 =	simm.s32 @!p0 $0x0  }
0x12: {  	s1 =	sld [smem:$0x3F92];
	s0 =	simm.s32 @p0 $0x1  }
0x13: {  	[smem:$0x3FAD] =	sst s0;
	s0 =	simm.s32 @!p1 $0x0  }
0x14: {  	s2 =	sld [smem:$0x3F91];
	s0 =	simm.s32 @p1 $0x1  }
0x15: {  	[smem:$0x3FAE] =	sst s0;
	s0 =	simm.s32 @!p2 $0x0  }
0x16: {  	s3 =	sld [smem:$0x3FDB];
	s0 =	simm.s32 @p2 $0x1  }
0x17: {  	s4 =	simm.s32 $0x1BF5;
	[smem:$0x3FB0] =	sst s0  }
0x18: {  	s0 =	sld [smem:$0x3F93];
	_ =	swait.ge [sflag:s4], $0x0  }
0x19: {  	s7 =	sld [smem:$0x3F94]  }
0x1a: {  	s8 =	sadd.s32 $0xFFFFE003, lr  }
0x1b: {  	s9 =	sadd.s32 $0xFFFFFEF7, lr;
	s5 =	simm.s32 $0xFFFFFFFF;
	p2 =	slt.u32 s8, $0xFFFFF086  }
0x1c: {  	p1 =	slt.u32 s9, $0xF7A;
	s5 =	simm.s32 @!p2 $0x0  }
0x1d: {  	s5 =	simm.s32 @p1 $0x1;
	p0 =	seq.s32 s7, s2  }
0x1e: {  	s7 =	smul.u32 @!p0 $0xF7A, s2;
	p2 =	seq.s32 @!p0 s5, $0x0  }
0x1f: {  	s9 =	smul.u32 $0xF7A, s1;
	s8 =	simm.s32 @!p0 $0x1BF5;
	p2 =	por !p2, p0  }
0x20: {  	[sflag:s8] =	ssyncset.s32 @!p0 $0xFFFFF086;
	s6 =	sadd.s32 @!p0 s3, s7;
	s7 =	simm.s32 @!p0 $0x108  }
0x21: {  	s3 =	sadd.s32 s3, s9;
	s6 =	sadd.s32 @!p0 $0x88, s6;
	s7 =	simm.s32 @p2 $0x1082  }
0x22: {  	[simem:s7], [sflag:s8] =	dma.local @!p0 [hbm:s6], $0xF7A  }
0x23: {  	s9 =	sor.u32 $0xD0000000, s2;
	s6 =	simm.s32 $0x108;
	_ =	swait.ge @!p0 [sflag:s8], $0x0  }
0x24: {  	s3 =	sadd.s32 $0x88, s3;
	s6 =	simm.s32 @!p1 $0x1082;
	[sflag:s4] =	ssyncset.s32 $0xFFFFF086  }
0x25: {  	[simem:s6], [sflag:s4] =	dma.local [hbm:s3], $0xF7A  }
0x26: {  	[smem:$0x3F94] =	sst s1;
	(tag) =	ssettag s2;
	_ =	strace s9  }
0x27: {  	s1 =	sld [smem:$0x3FA4]  }
0x28: {  	s2 =	sld [smem:$0x3FA5]  }
0x29: {  	s4 =	sld [smem:$0x3FA7]  }
0x2a: {  	p0 =	seq.s32 s5, $0x0;
	s5 =	sld [smem:$0x3FA8]  }
0x2b: {  	s6 =	sld [smem:$0x3FA9]  }
0x2c: {  	s7 =	sld [smem:$0x3FAA]  }
0x2d: {  	s3 =	simm.s32 $0x108;
	s8 =	sld [smem:$0x3FAB]  }
0x2e: {  	s3 =	simm.s32 @!p0 $0x1082;
	s9 =	sld [smem:$0x3FAC]  }
0x2f: {  	lr =	sadd.s32 s0, s3;
	s0 =	sld [smem:$0x3FA3]  }
0x30: {  	s3 =	sld [smem:$0x3FA6]  }
0x31: {  	[smem:$0x3FAF] =	sst s10  }
0x32: {  	s10 =	sld [smem:$0x3FAD];
	_ =	sdelay $0x3  }
0x33: {  	p0 =	seq.s32 s10, $0x1;
	s10 =	sld [smem:$0x3FAF];
	_ =	sdelay $0x3  }
0x34: {  	[smem:$0x3FAF] =	sst s10  }
0x35: {  	s10 =	sld [smem:$0x3FAE];
	_ =	sdelay $0x3  }
0x36: {  	p1 =	seq.s32 s10, $0x1;
	s10 =	sld [smem:$0x3FAF];
	_ =	sdelay $0x3  }
0x37: {  	[smem:$0x3FAF] =	sst s10  }
0x38: {  	s10 =	sld [smem:$0x3FB0]  }
0x39: {  	_ = 	snop;
	(pc) =	sbr.ind lr, $3  }
0x3a: {  	_ = 	snop  }
0x3b: {  	_ = 	snop  }
0x3c: {  	p2 =	seq.s32 s10, $0x1;
	s10 =	sld [smem:$0x3FAF]  }
0x3d: {  	_ =	shalt  }
0x3e: {  	_ =	shalt  }
0x3f: {  	_ =	shalt  }
0x40: {  	_ =	shalt  }
0x41: {  	_ =	shalt  }
0x42: {  	_ =	shalt  }
0x43: {  	_ =	shalt  }
0x44: {  	_ =	shalt  }
0x45: {  	_ =	shalt  }
0x46: {  	_ =	shalt  }
0x47: {  	_ =	shalt  }
0x48: {  	_ =	shalt  }
0x49: {  	_ =	shalt  }
0x4a: {  	_ =	shalt  }
0x4b: {  	_ =	shalt  }
0x4c: {  	_ =	shalt  }
0x4d: {  	_ =	shalt  }
0x4e: {  	_ =	shalt  }
0x4f: {  	_ =	shalt  }
0x50: {  	_ =	shalt  }
0x51: {  	_ =	shalt  }
0x52: {  	_ =	shalt  }
0x53: {  	_ =	shalt  }
0x54: {  	_ =	shalt  }
0x55: {  	_ =	shalt  }
0x56: {  	_ =	shalt  }
0x57: {  	_ =	shalt  }
0x58: {  	_ =	shalt  }
0x59: {  	_ =	shalt  }
0x5a: {  	_ =	shalt  }
0x5b: {  	_ =	shalt  }
0x5c: {  	_ =	shalt  }
0x5d: {  	_ =	shalt  }
0x5e: {  	_ =	shalt  }
0x5f: {  	_ =	shalt  }
0x60: {  	_ =	shalt  }
0x61: {  	_ =	shalt  }
0x62: {  	_ =	shalt  }
0x63: {  	_ =	shalt  }
0x64: {  	_ =	shalt  }
0x65: {  	_ =	shalt  }
0x66: {  	_ =	shalt  }
0x67: {  	_ =	shalt  }
0x68: {  	_ =	shalt  }
0x69: {  	_ =	shalt  }
0x6a: {  	_ =	shalt  }
0x6b: {  	_ =	shalt  }
0x6c: {  	_ =	shalt  }
0x6d: {  	_ =	shalt  }
0x6e: {  	_ =	shalt  }
0x6f: {  	_ =	shalt  }
0x70: {  	_ =	shalt  }
0x71: {  	_ =	shalt  }
0x72: {  	_ =	shalt  }
0x73: {  	_ =	shalt  }
0x74: {  	_ =	shalt  }
0x75: {  	_ =	shalt  }
0x76: {  	_ =	shalt  }
0x77: {  	_ =	shalt  }
0x78: {  	_ =	shalt  }
0x79: {  	_ =	shalt  }
0x7a: {  	_ =	shalt  }
0x7b: {  	_ =	shalt  }
0x7c: {  	_ =	shalt  }
0x7d: {  	_ =	shalt  }
0x7e: {  	_ =	shalt  }
0x7f: {  	_ =	shalt  }
0x80: {  	_ =	shalt  }
0x81: {  	_ =	shalt  }
0x82: {  	_ =	shalt  }
0x83: {  	_ =	shalt  }
0x84: {  	_ =	shalt  }
0x85: {  	_ =	shalt  }
0x86: {  	_ =	shalt  }
0x87: {  	_ =	shalt  }
.Lfunc_end0:
.L_simem_size_0:
called_computation_lowered:
.L_overlay_start_0:
0x88: {  	s2 =	sld [smem:$0x3FD9]  }
0x89: {  	s3 =	sld [smem:$0x3FFE];
	_ =	sdelay $0x1  }
0x8a: {  	s1 =	srdreg.scid  }
0x8b: {  	s0 =	sand.u32 $0x1, s1  }
0x8c: {  	s14 =	sshll.u32 s0, $0xA;
	s2 =	sadd.s32 s3, s2  }
0x8d: {  	s2 =	sadd.s32 s2, s14  }
0x8e: {  	[smem:$0x3FBB] =	sst s2  }
0x8f: {  	_ = 	snop  }
0x90: {  	s2 =	sld [smem:$0x3FD0];
	_ =	sdelay $0x2  }
0x91: {  	s15 =	simm.s32 $0xA;
	s4 =	simm.s32 $0x10  }
0x92: {  	[smem:s4], [sflag:s15] =	dma.local [hbm:s2], $0x1  }
0x93: {  	_ =	swait.eq [sflag:s15], $0x1  }
0x94: {  	[sflag:s15] =	ssyncset.done $0x0  }
0x95: {  	[sflag:s15] =	ssyncadd.s32 $0xFFFFFFFF  }
0x96: {  	s16 =	sld [smem:$0x11];
	(tm) =	ssettm $0x1  }
0x97: {  	s17 =	sld [smem:$0x3FFB];
	_ =	sdelay $0x3  }
0x98: {  	_ =	strace s17  }
0x99: {  	s3 =	sld [smem:$0x3FFC];
	_ =	sdelay $0x3  }
0x9a: {  	_ =	strace s3  }
0x9b: {  	s3 =	sld [smem:$0x3FFD];
	_ =	sdelay $0x3  }
0x9c: {  	_ =	strace s3  }
0x9d: {  	_ =	strace $0x8FFFFFFF  }
0x9e: {  	s18 =	sld [smem:$0x3FDB];
	_ =	sdelay $0x1  }
0x9f: {  	s19 =	simm.s32 $_scs_section_size  }
0xa0: {  	s5 =	simm.s32 $_size__tile_overlayer_lowered;
	s6 =	simm.s32 $_tile_overlayer_lowered  }
0xa1: {  	s22 =	simm.s32 $0x1BFF;
	s21 =	sshll.u32 s6, $0x1;
	s3 =	sadd.s32 s19, s18  }
0xa2: {  	s7 =	simm.s32 $0x0;
	s20 =	sshll.u32 s5, $0x1;
	s5 =	sadd.s32 s21, s3  }
0xa3: {  	[timem:s7], [sflag:s22] =	dma.local [hbm:s5], s20  }
0xa4: {  	_ =	swait.ge [sflag:s22], s20  }
0xa5: {  	s4 =	ssub.s32 $0x0, s20;
	[sflag:s22] =	ssyncset.done $0x0  }
0xa6: {  	[sflag:s22] =	ssyncadd.s32 s4;
	_ =	sdelay $0x1  }
0xa7: {  	s23 =	simm.s32 $0x1B8B  }
0xa8: {  	_ =	swait.ge [sflag:s23], $0x1  }
0xa9: {  	[sflag:s23] =	ssyncset.done $0x0  }
0xaa: {  	s25 =	simm.s32 $0x1B8E;
	s24 =	sld [smem:$0x3FFE];
	[sflag:s23] =	ssyncadd.s32 $0xFFFFFFFF  }
0xab: {  	s26 =	simm.s32 $execute0_lowered;
	[smem:$0x3FD2] =	sst s25  }
0xac: {  	s5 =	sshll.u32 s26, $0x1;
	_ =	strace $0x80000046;
	[dreg:$0x1] =	wrdreg $0xFFFFFFFF  }
0xad: {  	s28 =	simm.s32 $_size_execute0_lowered;
	s3 =	sadd.s32 s3, s5;
	[dreg:$0x0] =	wrdreg $0x0  }
0xae: {  	s5 =	sshll.u32 s28, $0x1;
	[dreg:$0x2] =	wrdreg s3  }
0xaf: {  	[dreg:$0x3] =	wrdreg s5  }
0xb0: {  	[dreg:$0x4] =	wrdreg $0xC0  }
0xb1: {  	_ =	task [dreg:s7], $0x5FFFF  }
0xb2: {  	[dreg:$0x1] =	wrdreg $0xFFFFFFFF  }
0xb3: {  	[dreg:$0x0] =	wrdreg $0x60  }
0xb4: {  	[dreg:$0x2] =	wrdreg s24  }
0xb5: {  	[dreg:$0x3] =	wrdreg s16  }
0xb6: {  	[dreg:$0x4] =	wrdreg $0x9  }
0xb7: {  	_ =	task.clear_ibuf [dreg:s7], $0x5FFFF;
	_ =	strace $0x90000046  }
0xb8: {  	s29 =	simm.s32 $0x9;
	_ =	strace $0x80000048  }
0xb9: {  	_ =	swait.ge [sflag:s29], $0x1  }
0xba: {  	[sflag:s29] =	ssyncadd.s32 $0xFFFFFFFF  }
0xbb: {  	_ =	strace $0x90000048  }
0xbc: {  	_ =	sfence  }
0xbd: {  	s30 =	sld [smem:$0x0];
	_ =	sdelay $0x2  }
0xbe: {  	s31 =	sshll.u32 s1, $0xD;
	s1 =	sshrl.u32 s1, $0x2  }
0xbf: {  	s3 =	sand.u32 $0x4000, s31;
	s1 =	sadd.s32 s1, s30  }
0xc0: {  	s0 =	sor.u32 s3, s0;
	s1 =	sshll.u32 s1, $0x11  }
0xc1: {  	s0 =	sor.u32 s1, s0  }
0xc2: {  	s0 =	sadd.s32 $0x8F2B, s0  }
0xc3: {  	[sflag:s0] =	ssyncadd.remote.s32 $0x1  }
0xc4: {  	_ =	sfence.sel $0xFFFF  }
0xc5: {  	[dreg:$0x0] =	wrdreg $0xFFFFFFFF;
	(pc) =	sbr.abs _section_cstart, $3  }
0xc6: {  	[dreg:$0x1] =	wrdreg $0xFFFFFFFF  }
0xc7: {  	_ =	task.clear_ibuf [dreg:s7], $0x2FFFF;
	_ =	strace $0x9FFFFFFF  }
0xc8: {  	(tm) =	ssettm $0x7FFFFFFF  }
0xc9: {  	_ =	shalt  }
tec
execute0_lowered:
.L_overlay_start_1:
0x0: {  	(tag) =	ssettag $0x1  }
0x1: {  	s0 =	srdreg.scid;
	s3 =	rddreg [dreg:$0x0]  }
0x2: {  	s5 =	rddreg [dreg:$0x1];
	s1 =	stileid.u32;
	s4 =	sand.u32 $0x1, s0  }
0x3: {  	s9 =	simm.s32 $0x400;
	s0 =	rddreg [dreg:$0x2];
	s2 =	sshll.u32 s4, $0x4  }
0x4: {  	s8 =	sshll.u32 s1, $0x7;
	s4 =	ssub.s32 $0x2, s4;
	s6 =	sor.u32 s1, s2  }
0x5: {  	s2 =	simm.s32 $0x0;
	s7 =	smul.u32 $0x4E2, s6;
	s6 =	sshrl.u32 s6, $0x3  }
0x6: {  	s8 =	sand.u32 $0x380, s8;
	[smem:$0x7FF] =	sst s2;
	s6 =	smul.u32 $0x13C00, s6  }
0x7: {  	s30 =	sshrl.u32 s4, $0x1;
	_ =	strace $0x80000047;
	s3 =	sadd.s32 s7, s3  }
0x8: {  	s7 =	ssub.s32 s4, s30;
	s6 =	sor.u32 s8, s6;
	s3 =	sadd.s32 $0xC800, s3  }
0x9: {  	s8 =	simm.s32 $0x80;
	s31 =	sshrl.u32 s6, $0x3;
	s6 =	simm.s32 $0x1  }
0xa: {  	v0 =	vimm.f32 $0.0e+00;
	v1 =	vimm.f32 $1.000000000e+00;
	s4 =	sadd.s32 s5, s31;
	s5 =	smax.u32 s7, $0x1;
	s7 =	simm.s32 $0x2780  }
.LBB2_1:
0xb: {  	s10 =	simm.s32 $0x40;
	s11 =	simm.s32 $0x0  }
.LBB2_2:
0xc: {  	p0 =	sne.s32 s10, $0x9C00;
	[tilespmem:s11+$0x2780] =	vst v0;
	s11 =	smov.u32 s10;
	s10 =	sadd.s32 $0x40, s10  }
.Ltmp0:
0xd: {  	(pc) =	sbr.rel @p0 .LBB2_2-.Ltmp0, $2  }
0xe: {  	_ =	sdelay $0x2  }
0xf: {  	s11 =	sshra.s32 s11, $0x2  }
0x10: {  	[tilespmem:s11+$0x2780] =	vst v0;
	s10 =	simm.s32 $0x0  }
0x11: {  	[tilespmem:s10], [sflag:$0x1] =	stream.linear.gather [hbm4b:s3+s10], $0x2710, $0x38;
	[tilespmem:$0x4F00] =	vst v63  }
0x12: {  	_ =	swait.ge [sflag:s6], $0x2710  }
0x13: {  	[sflag:s6] =	ssyncset.done $0x0  }
0x14: {  	s11 =	simm.s32 $0x0;
	s10 =	simm.s32 $0x40;
	[sflag:s6] =	ssyncadd.s32 $0xFFFFD8F0  }
.LBB2_4:
0x15: {  	p0 =	sne.s32 s10, $0x9C00;
	v2 =	vld [tilespmem:s11+$0x0];
	_ =	sdelay $0x3  }
.Ltmp1:
0x16: {  	(pc) =	sbr.rel @p0 .LBB2_4-.Ltmp1, $2  }
0x17: {  	_ =	sdelay $0x2  }
0x18: {  	s11 =	sshra.s32 s10, $0x2;
	s10 =	sadd.s32 $0x40, s10;
	[tilespmem:v2+s7+$0x0] =	vst.idx.add.f32.msk $0xffff, v1  }
0x19: {  	v2 =	vld [tilespmem:s11+$0x0];
	_ =	sdelay $0x5  }
0x1a: {  	s2 =	sadd.s32 $0x1, s2  }
0x1b: {  	p0 =	sne.s32 s2, s5  }
.Ltmp2:
0x1c: {  	[tilespmem:v2+s7+$0x0] =	vst.idx.add.f32.msk $0xffff, v1;
	(pc) =	sbr.rel @p0 .LBB2_1-.Ltmp2, $4  }
0x1d: {  	[hbm4b:s4+s8] =	stream.strided.scatter [tilespmem:s7], [sflag:$0x1], $0x2780, s9, s8, $0x38;
	[tilespmem:$0x4F00] =	vst v63  }
0x1e: {  	_ =	swait.ge [sflag:s6], $0x2780  }
0x1f: {  	[sflag:s6] =	ssyncset.done $0x0  }
0x20: {  	[sflag:s6] =	ssyncadd.s32 $0xFFFFD880  }
0x21: {  	_ =	sfence.sel $0x180000  }
0x22: {  	[bflag:$0x0] =	sbarrier.arrive $0xFFFF  }
0x23: {  	p0 =	sne.s32 s1, $0x0;
	_ =	strace $0x90000047  }
0x24: {  	s0 =	sadd.s32 @!p0 $0x100000, s0;
	[bflag:$0x2] =	sbarrier.arrive $0xFFFF  }
0x25: {  	[sflag:s0] =	ssyncadd.tile.s32 @!p0 $0x1;
	_ =	shalt  }
.Lfunc_end2:
_tile_overlayer_lowered:
.L_overlay_start_2:
0x26: {  	(tag) =	ssettag $0x2  }
0x27: {  	s0 =	rddreg [dreg:$0x0];
	s2 =	stileid.u32  }
0x28: {  	s1 =	rddreg [dreg:$0x1];
	p0 =	sne.s32 s2, $0x0  }
0x29: {  	s3 =	rddreg [dreg:$0x2];
	[bflag:$0x3] =	sbarrier.arrive $0xFFFF;
	s2 =	simm.s32 @!p0 $0x1C01  }
0x2a: {  	[timem:s3], [sflag:s2] =	dma.local @!p0 [hbm:s0], s1  }
0x2b: {  	s0 =	simm.s32 @!p0 $0x1  }
0x2c: {  	_ =	swait.ge @!p0 [sflag:s0], s1  }
0x2d: {  	s1 =	ssub.s32 @!p0 $0x0, s1;
	[sflag:s0] =	ssyncset.done @!p0 $0x0  }
0x2e: {  	[sflag:s0] =	ssyncadd.s32 @!p0 s1  }
0x2f: {  	[bflag:$0x3] =	sbarrier.arrive $0xFFFF  }
0x30: {  	_ =	shalt  }

// kernel: kernel.13.cloned.1.call-start
scs
__scs_entry_jumppad:
0x0: {  	(pc) =	sbr.rel $0x88, $3  }
0x1: {  	(tag) =	ssettag $0x0;
	lr =	simm.s32 $0x1  }
0x2: {  	[smem:$0x3F94] =	sst lr;
	_ =	strace $0xD0000000  }
0x3: {  	_ = 	snop  }
0x4: {  	_ = 	snop  }
0x5: {  	_ = 	snop  }
0x6: {  	_ = 	snop  }
0x7: {  	_ = 	snop  }
__scs_overlays_trampoline_lowered:
0x8: {  	[smem:$0x3FA3] =	sst s0  }
0x9: {  	[smem:$0x3FA4] =	sst s1  }
0xa: {  	[smem:$0x3FA5] =	sst s2  }
0xb: {  	[smem:$0x3FA6] =	sst s3  }
0xc: {  	[smem:$0x3FA7] =	sst s4  }
0xd: {  	[smem:$0x3FA8] =	sst s5  }
0xe: {  	[smem:$0x3FA9] =	sst s6  }
0xf: {  	[smem:$0x3FAA] =	sst s7  }
0x10: {  	[smem:$0x3FAB] =	sst s8  }
0x11: {  	[smem:$0x3FAC] =	sst s9;
	s0 =	simm.s32 @!p0 $0x0  }
0x12: {  	s1 =	sld [smem:$0x3F92];
	s0 =	simm.s32 @p0 $0x1  }
0x13: {  	[smem:$0x3FAD] =	sst s0;
	s0 =	simm.s32 @!p1 $0x0  }
0x14: {  	s2 =	sld [smem:$0x3F91];
	s0 =	simm.s32 @p1 $0x1  }
0x15: {  	[smem:$0x3FAE] =	sst s0;
	s0 =	simm.s32 @!p2 $0x0  }
0x16: {  	s3 =	sld [smem:$0x3FDB];
	s0 =	simm.s32 @p2 $0x1  }
0x17: {  	s4 =	simm.s32 $0x1BF5;
	[smem:$0x3FB0] =	sst s0  }
0x18: {  	s0 =	sld [smem:$0x3F93];
	_ =	swait.ge [sflag:s4], $0x0  }
0x19: {  	s7 =	sld [smem:$0x3F94]  }
0x1a: {  	s8 =	sadd.s32 $0xFFFFE003, lr  }
0x1b: {  	s9 =	sadd.s32 $0xFFFFFEF7, lr;
	s5 =	simm.s32 $0xFFFFFFFF;
	p2 =	slt.u32 s8, $0xFFFFF086  }
0x1c: {  	p1 =	slt.u32 s9, $0xF7A;
	s5 =	simm.s32 @!p2 $0x0  }
0x1d: {  	s5 =	simm.s32 @p1 $0x1;
	p0 =	seq.s32 s7, s2  }
0x1e: {  	s7 =	smul.u32 @!p0 $0xF7A, s2;
	p2 =	seq.s32 @!p0 s5, $0x0  }
0x1f: {  	s9 =	smul.u32 $0xF7A, s1;
	s8 =	simm.s32 @!p0 $0x1BF5;
	p2 =	por !p2, p0  }
0x20: {  	[sflag:s8] =	ssyncset.s32 @!p0 $0xFFFFF086;
	s6 =	sadd.s32 @!p0 s3, s7;
	s7 =	simm.s32 @!p0 $0x108  }
0x21: {  	s3 =	sadd.s32 s3, s9;
	s6 =	sadd.s32 @!p0 $0x88, s6;
	s7 =	simm.s32 @p2 $0x1082  }
0x22: {  	[simem:s7], [sflag:s8] =	dma.local @!p0 [hbm:s6], $0xF7A  }
0x23: {  	s9 =	sor.u32 $0xD0000000, s2;
	s6 =	simm.s32 $0x108;
	_ =	swait.ge @!p0 [sflag:s8], $0x0  }
0x24: {  	s3 =	sadd.s32 $0x88, s3;
	s6 =	simm.s32 @!p1 $0x1082;
	[sflag:s4] =	ssyncset.s32 $0xFFFFF086  }
0x25: {  	[simem:s6], [sflag:s4] =	dma.local [hbm:s3], $0xF7A  }
0x26: {  	[smem:$0x3F94] =	sst s1;
	(tag) =	ssettag s2;
	_ =	strace s9  }
0x27: {  	s1 =	sld [smem:$0x3FA4]  }
0x28: {  	s2 =	sld [smem:$0x3FA5]  }
0x29: {  	s4 =	sld [smem:$0x3FA7]  }
0x2a: {  	p0 =	seq.s32 s5, $0x0;
	s5 =	sld [smem:$0x3FA8]  }
0x2b: {  	s6 =	sld [smem:$0x3FA9]  }
0x2c: {  	s7 =	sld [smem:$0x3FAA]  }
0x2d: {  	s3 =	simm.s32 $0x108;
	s8 =	sld [smem:$0x3FAB]  }
0x2e: {  	s3 =	simm.s32 @!p0 $0x1082;
	s9 =	sld [smem:$0x3FAC]  }
0x2f: {  	lr =	sadd.s32 s0, s3;
	s0 =	sld [smem:$0x3FA3]  }
0x30: {  	s3 =	sld [smem:$0x3FA6]  }
0x31: {  	[smem:$0x3FAF] =	sst s10  }
0x32: {  	s10 =	sld [smem:$0x3FAD];
	_ =	sdelay $0x3  }
0x33: {  	p0 =	seq.s32 s10, $0x1;
	s10 =	sld [smem:$0x3FAF];
	_ =	sdelay $0x3  }
0x34: {  	[smem:$0x3FAF] =	sst s10  }
0x35: {  	s10 =	sld [smem:$0x3FAE];
	_ =	sdelay $0x3  }
0x36: {  	p1 =	seq.s32 s10, $0x1;
	s10 =	sld [smem:$0x3FAF];
	_ =	sdelay $0x3  }
0x37: {  	[smem:$0x3FAF] =	sst s10  }
0x38: {  	s10 =	sld [smem:$0x3FB0]  }
0x39: {  	_ = 	snop;
	(pc) =	sbr.ind lr, $3  }
0x3a: {  	_ = 	snop  }
0x3b: {  	_ = 	snop  }
0x3c: {  	p2 =	seq.s32 s10, $0x1;
	s10 =	sld [smem:$0x3FAF]  }
0x3d: {  	_ =	shalt  }
0x3e: {  	_ =	shalt  }
0x3f: {  	_ =	shalt  }
0x40: {  	_ =	shalt  }
0x41: {  	_ =	shalt  }
0x42: {  	_ =	shalt  }
0x43: {  	_ =	shalt  }
0x44: {  	_ =	shalt  }
0x45: {  	_ =	shalt  }
0x46: {  	_ =	shalt  }
0x47: {  	_ =	shalt  }
0x48: {  	_ =	shalt  }
0x49: {  	_ =	shalt  }
0x4a: {  	_ =	shalt  }
0x4b: {  	_ =	shalt  }
0x4c: {  	_ =	shalt  }
0x4d: {  	_ =	shalt  }
0x4e: {  	_ =	shalt  }
0x4f: {  	_ =	shalt  }
0x50: {  	_ =	shalt  }
0x51: {  	_ =	shalt  }
0x52: {  	_ =	shalt  }
0x53: {  	_ =	shalt  }
0x54: {  	_ =	shalt  }
0x55: {  	_ =	shalt  }
0x56: {  	_ =	shalt  }
0x57: {  	_ =	shalt  }
0x58: {  	_ =	shalt  }
0x59: {  	_ =	shalt  }
0x5a: {  	_ =	shalt  }
0x5b: {  	_ =	shalt  }
0x5c: {  	_ =	shalt  }
0x5d: {  	_ =	shalt  }
0x5e: {  	_ =	shalt  }
0x5f: {  	_ =	shalt  }
0x60: {  	_ =	shalt  }
0x61: {  	_ =	shalt  }
0x62: {  	_ =	shalt  }
0x63: {  	_ =	shalt  }
0x64: {  	_ =	shalt  }
0x65: {  	_ =	shalt  }
0x66: {  	_ =	shalt  }
0x67: {  	_ =	shalt  }
0x68: {  	_ =	shalt  }
0x69: {  	_ =	shalt  }
0x6a: {  	_ =	shalt  }
0x6b: {  	_ =	shalt  }
0x6c: {  	_ =	shalt  }
0x6d: {  	_ =	shalt  }
0x6e: {  	_ =	shalt  }
0x6f: {  	_ =	shalt  }
0x70: {  	_ =	shalt  }
0x71: {  	_ =	shalt  }
0x72: {  	_ =	shalt  }
0x73: {  	_ =	shalt  }
0x74: {  	_ =	shalt  }
0x75: {  	_ =	shalt  }
0x76: {  	_ =	shalt  }
0x77: {  	_ =	shalt  }
0x78: {  	_ =	shalt  }
0x79: {  	_ =	shalt  }
0x7a: {  	_ =	shalt  }
0x7b: {  	_ =	shalt  }
0x7c: {  	_ =	shalt  }
0x7d: {  	_ =	shalt  }
0x7e: {  	_ =	shalt  }
0x7f: {  	_ =	shalt  }
0x80: {  	_ =	shalt  }
0x81: {  	_ =	shalt  }
0x82: {  	_ =	shalt  }
0x83: {  	_ =	shalt  }
0x84: {  	_ =	shalt  }
0x85: {  	_ =	shalt  }
0x86: {  	_ =	shalt  }
0x87: {  	_ =	shalt  }
.Lfunc_end0:
.L_simem_size_0:
called_computation.1_lowered:
.L_overlay_start_0:
0x88: {  	s2 =	sld [smem:$0x3FD9]  }
0x89: {  	s3 =	sld [smem:$0x3FFE];
	_ =	sdelay $0x1  }
0x8a: {  	s1 =	srdreg.scid  }
0x8b: {  	s0 =	sand.u32 $0x1, s1  }
0x8c: {  	s16 =	sshll.u32 s0, $0xA;
	s2 =	sadd.s32 s3, s2  }
0x8d: {  	s2 =	sadd.s32 s2, s16  }
0x8e: {  	[smem:$0x3FBB] =	sst s2  }
0x8f: {  	_ = 	snop  }
0x90: {  	(tm) =	ssettm $0x1  }
0x91: {  	s17 =	sld [smem:$0x3FFB];
	_ =	sdelay $0x3  }
0x92: {  	_ =	strace s17  }
0x93: {  	s2 =	sld [smem:$0x3FFC];
	_ =	sdelay $0x3  }
0x94: {  	_ =	strace s2  }
0x95: {  	s2 =	sld [smem:$0x3FFD];
	_ =	sdelay $0x3  }
0x96: {  	_ =	strace s2  }
0x97: {  	_ =	strace $0x8FFFFFFF  }
0x98: {  	s18 =	sld [smem:$0x3FDB];
	_ =	sdelay $0x1  }
0x99: {  	s19 =	simm.s32 $_scs_section_size  }
0x9a: {  	s4 =	simm.s32 $_size__tile_overlayer_lowered;
	s5 =	simm.s32 $_tile_overlayer_lowered  }
0x9b: {  	s22 =	simm.s32 $0x1BFF;
	s21 =	sshll.u32 s5, $0x1;
	s2 =	sadd.s32 s19, s18  }
0x9c: {  	s6 =	simm.s32 $0x0;
	s20 =	sshll.u32 s4, $0x1;
	s4 =	sadd.s32 s21, s2  }
0x9d: {  	[timem:s6], [sflag:s22] =	dma.local [hbm:s4], s20  }
0x9e: {  	_ =	swait.ge [sflag:s22], s20  }
0x9f: {  	s3 =	ssub.s32 $0x0, s20;
	[sflag:s22] =	ssyncset.done $0x0  }
0xa0: {  	[sflag:s22] =	ssyncadd.s32 s3;
	_ =	sdelay $0x1  }
0xa1: {  	s23 =	simm.s32 $0x1B8B  }
0xa2: {  	_ =	swait.ge [sflag:s23], $0x1  }
0xa3: {  	[sflag:s23] =	ssyncset.done $0x0  }
0xa4: {  	s25 =	simm.s32 $0x1B8E;
	s24 =	sld [smem:$0x3FFE];
	[sflag:s23] =	ssyncadd.s32 $0xFFFFFFFF  }
0xa5: {  	s26 =	simm.s32 $execute0_lowered;
	[smem:$0x3FD2] =	sst s25  }
0xa6: {  	s4 =	sshll.u32 s26, $0x1;
	_ =	strace $0x80000049;
	[dreg:$0x1] =	wrdreg $0xFFFFFFFF  }
0xa7: {  	s28 =	simm.s32 $_size_execute0_lowered;
	s2 =	sadd.s32 s2, s4;
	[dreg:$0x0] =	wrdreg $0x0  }
0xa8: {  	s4 =	sshll.u32 s28, $0x1;
	[dreg:$0x2] =	wrdreg s2  }
0xa9: {  	[dreg:$0x3] =	wrdreg s4  }
0xaa: {  	[dreg:$0x4] =	wrdreg $0xC0  }
0xab: {  	_ =	task [dreg:s6], $0x5FFFF  }
0xac: {  	[dreg:$0x1] =	wrdreg $0xFFFFFFFF  }
0xad: {  	[dreg:$0x0] =	wrdreg $0x60  }
0xae: {  	[dreg:$0x2] =	wrdreg s24  }
0xaf: {  	[dreg:$0x3] =	wrdreg $0x9  }
0xb0: {  	_ =	task.clear_ibuf [dreg:s6], $0x4FFFF;
	_ =	strace $0x90000049  }
0xb1: {  	s29 =	simm.s32 $0x9;
	_ =	strace $0x8000004B  }
0xb2: {  	_ =	swait.ge [sflag:s29], $0x1  }
0xb3: {  	[sflag:s29] =	ssyncadd.s32 $0xFFFFFFFF  }
0xb4: {  	_ =	strace $0x9000004B  }
0xb5: {  	_ =	sfence  }
0xb6: {  	s30 =	sld [smem:$0x0];
	_ =	sdelay $0x2  }
0xb7: {  	s31 =	sshll.u32 s1, $0xD;
	s1 =	sshrl.u32 s1, $0x2  }
0xb8: {  	s3 =	sand.u32 $0x4000, s31;
	s1 =	sadd.s32 s1, s30  }
0xb9: {  	s0 =	sor.u32 s3, s0;
	s1 =	sshll.u32 s1, $0x11  }
0xba: {  	s0 =	sor.u32 s1, s0  }
0xbb: {  	s0 =	sadd.s32 $0x8F2B, s0  }
0xbc: {  	[sflag:s0] =	ssyncadd.remote.s32 $0x1  }
0xbd: {  	_ =	sfence.sel $0xFFFF  }
0xbe: {  	[dreg:$0x0] =	wrdreg $0xFFFFFFFF;
	(pc) =	sbr.abs _section_cstart, $3  }
0xbf: {  	[dreg:$0x1] =	wrdreg $0xFFFFFFFF  }
0xc0: {  	_ =	task.clear_ibuf [dreg:s6], $0x2FFFF;
	_ =	strace $0x9FFFFFFF  }
0xc1: {  	(tm) =	ssettm $0x7FFFFFFF  }
tec
execute0_lowered:
.L_overlay_start_1:
0x0: {  	(tag) =	ssettag $0x1  }
0x1: {  	s0 =	srdreg.scid  }
0x2: {  	s3 =	sand.u32 $0x1, s0  }
0x3: {  	s4 =	rddreg [dreg:$0x0];
	s0 =	stileid.u32;
	s1 =	sshll.u32 s3, $0x4  }
0x4: {  	s2 =	simm.s32 $0x0;
	s9 =	simm.s32 $0x400;
	s1 =	sor.u32 s0, s1  }
0x5: {  	s10 =	simm.s32 $0x1900;
	s11 =	simm.s32 $0x1;
	s1 =	sshrl.u32 s1, $0x3  }
0x6: {  	s12 =	simm.s32 $0xC80;
	s6 =	sshll.u32 s0, $0x7;
	s5 =	smul.u32 $0x4E400, s1  }
0x7: {  	s13 =	simm.s32 $0xB580;
	s14 =	simm.s32 $0x0;
	s6 =	sand.u32 $0x380, s6  }
0x8: {  	[smem:$0x7FF] =	sst s2;
	s30 =	ssub.s32 $0x2, s3;
	s5 =	sor.u32 s6, s5  }
0x9: {  	s3 =	sadd.s32 $0x2A00, s4;
	s31 =	sshrl.u32 s30, $0x1;
	s5 =	sshrl.u32 s5, $0x3  }
0xa: {  	s8 =	ssub.s32 s30, s31;
	s1 =	rddreg [dreg:$0x1];
	s7 =	sadd.s32 s5, s4  }
0xb: {  	_ =	strace $0x8000004A;
	s4 =	sadd.s32 $0xC800, s4;
	s5 =	sadd.s32 $0x16600, s7  }
0xc: {  	v0 =	vimm.f32 $0.0e+00;
	s6 =	sadd.s32 $0x3D800, s7;
	s7 =	smax.u32 s8, $0x1;
	s8 =	simm.s32 $0x80  }
.LBB2_1:
0xd: {  	s15 =	simm.s32 $0x40;
	s16 =	simm.s32 $0x0  }
.LBB2_2:
0xe: {  	p0 =	sne.s32 s15, $0x270C0;
	[tilespmem:s16+$0xB580] =	vst v0;
	s16 =	smov.u32 s15;
	s15 =	sadd.s32 $0x40, s15  }
.Ltmp0:
0xf: {  	(pc) =	sbr.rel @p0 .LBB2_2-.Ltmp0, $2  }
0x10: {  	_ =	sdelay $0x2  }
0x11: {  	s16 =	sshra.s32 s16, $0x2  }
0x12: {  	[tilespmem:s16+$0xB580] =	vst v0  }
0x13: {  	[tilespmem:s10], [sflag:$0x1] =	stream.strided.gather [hbm4b:s5+s8], $0x9C80, s9, s8, $0x38;
	[tilespmem:$0x15200] =	vst v63  }
0x14: {  	_ =	swait.ge [sflag:s11], $0x9C80  }
0x15: {  	[sflag:s11] =	ssyncset.done $0x0  }
0x16: {  	s15 =	simm.s32 $0x0;
	[sflag:s11] =	ssyncadd.s32 $0xFFFF6380  }
.LBB2_4:
0x17: {  	s16 =	smul.u32 $0x190, s15;
	_ =	sdelay $0x1  }
0x18: {  	s17 =	sadd.s32 s3, s16  }
0x19: {  	[tilespmem:s2], [sflag:$0x1] =	stream.linear.gather [hbm4b:s17+s2], $0xC80, $0x38;
	[tilespmem:$0x15200] =	vst v63  }
0x1a: {  	_ =	swait.ge [sflag:s11], $0xC80  }
0x1b: {  	[sflag:s11] =	ssyncset.done $0x0  }
0x1c: {  	s16 =	sadd.s32 s4, s16;
	[sflag:s11] =	ssyncadd.s32 $0xFFFFF380  }
0x1d: {  	[tilespmem:s12], [sflag:$0x1] =	stream.linear.gather [hbm4b:s16+s2], $0xC80, $0x38;
	[tilespmem:$0x15200] =	vst v63  }
0x1e: {  	_ =	swait.ge [sflag:s11], $0xC80  }
0x1f: {  	[sflag:s11] =	ssyncset.done $0x0  }
0x20: {  	s31 =	simm.s32 $0x20;
	[sflag:s11] =	ssyncadd.s32 $0xFFFFF380  }
0x21: {  	v1 =	vld [tilespmem:s31+$0x10]  }
0x22: {  	v2 =	vld [tilespmem:s31+$0xFFFFFFF0];
	_ =	sdelay $0x1  }
0x23: {  	v3 =	vld [tilespmem:s31+$0xFFFFFFE0]  }
0x24: {  	s16 =	simm.s32 $0xCA0;
	v4 =	vld [tilespmem:s31+$0x0]  }
0x25: {  	v5 =	vld [tilespmem:s16+$0x10];
	v1 =	vshll.u32 v1, $0x2  }
0x26: {  	v6 =	vld [tilespmem:s16+$0xFFFFFFF0];
	v2 =	vshll.u32 v2, $0x2;
	_ =	sdelay $0x1  }
0x27: {  	v7 =	vld [tilespmem:s16+$0xFFFFFFE0];
	v3 =	vshll.u32 v3, $0x2  }
0x28: {  	v8 =	vld [tilespmem:s16+$0x0];
	v4 =	vshll.u32 v4, $0x2  }
0x29: {  	v5 =	vshll.u32 v5, $0x2;
	v9 =	vld.idx.msk [tilespmem:v1+s10+$0x0], $0xffff  }
0x2a: {  	v12 =	vshll.u32 v6, $0x2;
	v11 =	vld.idx.msk [tilespmem:v2+s10+$0x0], $0xffff  }
0x2b: {  	v10 =	vor.u32 $0x1, v1  }
0x2c: {  	v7 =	vshll.u32 v7, $0x2;
	v6 =	vld.idx.msk [tilespmem:v3+s10+$0x0], $0xffff  }
0x2d: {  	v14 =	vshll.u32 v8, $0x2;
	v8 =	vor.u32 $0x1, v3;
	v13 =	vld.idx.msk [tilespmem:v4+s10+$0x0], $0xffff  }
0x2e: {  	[tilespmem:v5+s13+$0x0] =	vst.idx.add.f32.msk $0xffff, v9  }
0x2f: {  	v9 =	vor.u32 $0x1, v2;
	[tilespmem:v12+s13+$0x0] =	vst.idx.add.f32.msk $0xffff, v11  }
0x30: {  	v11 =	vor.u32 $0x1, v5;
	v10 =	vld.idx.msk [tilespmem:v10+s10+$0x0], $0xffff  }
0x31: {  	v15 =	vor.u32 $0x1, v4;
	[tilespmem:v7+s13+$0x0] =	vst.idx.add.f32.msk $0xffff, v6  }
0x32: {  	v59 =	vor.u32 $0x1, v7;
	v8 =	vld.idx.msk [tilespmem:v8+s10+$0x0], $0xffff  }
0x33: {  	v6 =	vor.u32 $0x2, v1;
	[tilespmem:v14+s13+$0x0] =	vst.idx.add.f32.msk $0xffff, v13  }
0x34: {  	v17 =	vor.u32 $0x2, v3;
	v9 =	vld.idx.msk [tilespmem:v9+s10+$0x0], $0xffff  }
0x35: {  	v16 =	vor.u32 $0x1, v12;
	[tilespmem:v11+s13+$0x0] =	vst.idx.add.f32.msk $0xffff, v10  }
0x36: {  	v60 =	vor.u32 $0x1, v14;
	v11 =	vld.idx.msk [tilespmem:v15+s10+$0x0], $0xffff  }
0x37: {  	[tilespmem:v59+s13+$0x0] =	vst.idx.add.f32.msk $0xffff, v8;
	v8 =	vor.u32 $0x2, v2  }
0x38: {  	v10 =	vor.u32 $0x2, v5;
	v6 =	vld.idx.msk [tilespmem:v6+s10+$0x0], $0xffff  }
0x39: {  	v1 =	vor.u32 $0x3, v1;
	v13 =	vld.idx.msk [tilespmem:v17+s10+$0x0], $0xffff  }
0x3a: {  	v61 =	vor.u32 $0x2, v7;
	[tilespmem:v16+s13+$0x0] =	vst.idx.add.f32.msk $0xffff, v9  }
0x3b: {  	v3 =	vor.u32 $0x3, v3;
	[tilespmem:v60+s13+$0x0] =	vst.idx.add.f32.msk $0xffff, v11  }
0x3c: {  	v9 =	vor.u32 $0x2, v4;
	v63 =	vld.idx.msk [tilespmem:v8+s10+$0x0], $0xffff  }
0x3d: {  	v62 =	vor.u32 $0x2, v12;
	[tilespmem:v10+s13+$0x0] =	vst.idx.add.f32.msk $0xffff, v6  }
0x3e: {  	v11 =	vor.u32 $0x3, v5;
	v10 =	vld.idx.msk [tilespmem:v1+s10+$0x0], $0xffff  }
0x3f: {  	[tilespmem:v61+s13+$0x0] =	vst.idx.add.f32.msk $0xffff, v13  }
0x40: {  	v6 =	vld.idx.msk [tilespmem:v3+s10+$0x0], $0xffff  }
0x41: {  	v8 =	vld.idx.msk [tilespmem:v9+s10+$0x0], $0xffff  }
0x42: {  	v5 =	vor.u32 $0x3, v2;
	v2 =	vor.u32 $0x3, v7;
	v7 =	vor.u32 $0x2, v14;
	[tilespmem:v62+s13+$0x0] =	vst.idx.add.f32.msk $0xffff, v63  }
0x43: {  	s18 =	simm.s32 $0x60;
	s17 =	simm.s32 $0x0;
	v1 =	vor.u32 $0x3, v4;
	v4 =	vor.u32 $0x3, v12;
	v3 =	vor.u32 $0x3, v14;
	[tilespmem:v11+s13+$0x0] =	vst.idx.add.f32.msk $0xffff, v10  }
.LBB2_5:
0x44: {  	v9 =	vld [tilespmem:s18+$0x10];
	s17 =	sadd.s32 $0x4, s17  }
0x45: {  	v10 =	vld [tilespmem:s18+$0xFFFFFFF0];
	p0 =	slt.u32 s17, $0xC4  }
0x46: {  	v11 =	vld [tilespmem:s18+$0x0]  }
0x47: {  	v12 =	vld [tilespmem:s18+$0xFFFFFFE0]  }
0x48: {  	[tilespmem:v7+s13+$0x0] =	vst.idx.add.f32.msk $0xffff, v8  }
0x49: {  	s16 =	sadd.s32 $0x40, s16;
	v8 =	vshll.u32 v9, $0x2;
	v9 =	vld.idx.msk [tilespmem:v5+s10+$0x0], $0xffff  }
0x4a: {  	v7 =	vshll.u32 v10, $0x2;
	v10 =	vld [tilespmem:s16+$0x10]  }
0x4b: {  	v13 =	vld [tilespmem:s16+$0xFFFFFFE0];
	v14 =	vor.u32 $0x1, v7;
	v15 =	vor.u32 $0x2, v7;
	v11 =	vshll.u32 v11, $0x2  }
0x4c: {  	v12 =	vshll.u32 v12, $0x2;
	v16 =	vld [tilespmem:s16+$0xFFFFFFF0];
	v17 =	vor.u32 $0x1, v11;
	v18 =	vor.u32 $0x2, v11  }
0x4d: {  	v19 =	vor.u32 $0x1, v12;
	v20 =	vor.u32 $0x2, v12;
	v21 =	vor.u32 $0x3, v12;
	v22 =	vld [tilespmem:s16+$0x0]  }
0x4e: {  	v5 =	vor.u32 $0x3, v7;
	v23 =	vor.u32 $0x3, v11;
	v24 =	vld.idx.msk [tilespmem:v8+s10+$0x0], $0xffff  }
0x4f: {  	v25 =	vld.idx.msk [tilespmem:v7+s10+$0x0], $0xffff;
	v10 =	vshll.u32 v10, $0x2  }
0x50: {  	v26 =	vor.u32 $0x1, v8;
	v13 =	vshll.u32 v13, $0x2;
	v11 =	vld.idx.msk [tilespmem:v11+s10+$0x0], $0xffff  }
0x51: {  	v12 =	vld.idx.msk [tilespmem:v12+s10+$0x0], $0xffff;
	v27 =	vor.u32 $0x1, v13;
	v28 =	vor.u32 $0x2, v13;
	v16 =	vshll.u32 v16, $0x2  }
0x52: {  	v29 =	vor.u32 $0x1, v16;
	v30 =	vor.u32 $0x2, v16;
	v22 =	vshll.u32 v22, $0x2;
	v31 =	vld.idx.msk [tilespmem:v1+s10+$0x0], $0xffff;
	v1 =	vmovc v23  }
0x53: {  	v23 =	vor.u32 $0x1, v22;
	v7 =	vor.u32 $0x2, v22;
	[tilespmem:v2+s13+$0x0] =	vst.idx.add.f32.msk $0xffff, v6;
	v2 =	vor.u32 $0x3, v13  }
0x54: {  	v6 =	vor.u32 $0x3, v16;
	v32 =	vor.u32 $0x3, v22;
	[tilespmem:v10+s13+$0x0] =	vst.idx.add.f32.msk $0xffff, v24  }
0x55: {  	v24 =	vld.idx.msk [tilespmem:v26+s10+$0x0], $0xffff  }
0x56: {  	[tilespmem:v16+s13+$0x0] =	vst.idx.add.f32.msk $0xffff, v25;
	v16 =	vor.u32 $0x1, v10  }
0x57: {  	[tilespmem:v13+s13+$0x0] =	vst.idx.add.f32.msk $0xffff, v12;
	v12 =	vor.u32 $0x2, v8  }
0x58: {  	[tilespmem:v22+s13+$0x0] =	vst.idx.add.f32.msk $0xffff, v11  }
0x59: {  	v11 =	vld.idx.msk [tilespmem:v19+s10+$0x0], $0xffff  }
0x5a: {  	v13 =	vld.idx.msk [tilespmem:v14+s10+$0x0], $0xffff  }
0x5b: {  	[tilespmem:v16+s13+$0x0] =	vst.idx.add.f32.msk $0xffff, v24  }
0x5c: {  	v12 =	vld.idx.msk [tilespmem:v12+s10+$0x0], $0xffff  }
0x5d: {  	v16 =	vor.u32 $0x2, v10;
	v14 =	vld.idx.msk [tilespmem:v17+s10+$0x0], $0xffff  }
0x5e: {  	v8 =	vor.u32 $0x3, v8;
	[tilespmem:v4+s13+$0x0] =	vst.idx.add.f32.msk $0xffff, v9;
	v4 =	vmov v6  }
0x5f: {  	[tilespmem:v27+s13+$0x0] =	vst.idx.add.f32.msk $0xffff, v11  }
0x60: {  	[tilespmem:v29+s13+$0x0] =	vst.idx.add.f32.msk $0xffff, v13  }
0x61: {  	v6 =	vld.idx.msk [tilespmem:v20+s10+$0x0], $0xffff  }
0x62: {  	[tilespmem:v16+s13+$0x0] =	vst.idx.add.f32.msk $0xffff, v12  }
0x63: {  	v9 =	vld.idx.msk [tilespmem:v8+s10+$0x0], $0xffff  }
0x64: {  	v10 =	vor.u32 $0x3, v10;
	[tilespmem:v23+s13+$0x0] =	vst.idx.add.f32.msk $0xffff, v14  }
0x65: {  	v11 =	vld.idx.msk [tilespmem:v15+s10+$0x0], $0xffff  }
0x66: {  	v8 =	vld.idx.msk [tilespmem:v18+s10+$0x0], $0xffff  }
.Ltmp1:
0x67: {  	[tilespmem:v28+s13+$0x0] =	vst.idx.add.f32.msk $0xffff, v6;
	(pc) =	sbr.rel @p0 .LBB2_5-.Ltmp1, $4  }
0x68: {  	v6 =	vld.idx.msk [tilespmem:v21+s10+$0x0], $0xffff  }
0x69: {  	[tilespmem:v10+s13+$0x0] =	vst.idx.add.f32.msk $0xffff, v9  }
0x6a: {  	[tilespmem:v3+s13+$0x0] =	vst.idx.add.f32.msk $0xffff, v31;
	v3 =	vmov v32  }
0x6b: {  	s18 =	sadd.s32 $0x40, s18;
	[tilespmem:v30+s13+$0x0] =	vst.idx.add.f32.msk $0xffff, v11  }
0x6c: {  	_ =	sdelay $0x3  }
0x6d: {  	[tilespmem:v7+s13+$0x0] =	vst.idx.add.f32.msk $0xffff, v8  }
0x6e: {  	v5 =	vld.idx.msk [tilespmem:v5+s10+$0x0], $0xffff;
	s15 =	sadd.s32 $0x1, s15  }
0x6f: {  	v1 =	vld.idx.msk [tilespmem:v1+s10+$0x0], $0xffff;
	p0 =	sne.s32 s15, $0x64  }
.Ltmp2:
0x70: {  	_ = 	snop;
	(pc) =	sbr.rel @p0 .LBB2_4-.Ltmp2, $4  }
0x71: {  	_ = 	snop  }
0x72: {  	[tilespmem:v2+s13+$0x0] =	vst.idx.add.f32.msk $0xffff, v6  }
0x73: {  	[tilespmem:v4+s13+$0x0] =	vst.idx.add.f32.msk $0xffff, v5  }
0x74: {  	[tilespmem:v3+s13+$0x0] =	vst.idx.add.f32.msk $0xffff, v1  }
0x75: {  	s14 =	sadd.s32 $0x1, s14  }
0x76: {  	p0 =	sne.s32 s14, s7  }
.Ltmp3:
0x77: {  	_ = 	snop;
	(pc) =	sbr.rel @p0 .LBB2_1-.Ltmp3, $4  }
0x78: {  	[hbm4b:s6+s8] =	stream.strided.scatter [tilespmem:s13], [sflag:$0x1], $0x9C80, s9, s8, $0x38;
	[tilespmem:$0x15200] =	vst v63  }
0x79: {  	_ =	swait.ge [sflag:s11], $0x9C80  }
0x7a: {  	[sflag:s11] =	ssyncset.done $0x0  }
0x7b: {  	[sflag:s11] =	ssyncadd.s32 $0xFFFF6380  }
0x7c: {  	_ =	sfence.sel $0x180000  }
0x7d: {  	[bflag:$0x0] =	sbarrier.arrive $0xFFFF  }
0x7e: {  	p0 =	sne.s32 s0, $0x0;
	_ =	strace $0x9000004A  }
0x7f: {  	s0 =	sadd.s32 @!p0 $0x100000, s1;
	[bflag:$0x2] =	sbarrier.arrive $0xFFFF  }
0x80: {  	[sflag:s0] =	ssyncadd.tile.s32 @!p0 $0x1;
	_ =	shalt  }
.Lfunc_end2:
_tile_overlayer_lowered:
.L_overlay_start_2:
0x81: {  	(tag) =	ssettag $0x2  }
0x82: {  	s0 =	rddreg [dreg:$0x0];
	s2 =	stileid.u32  }
0x83: {  	s1 =	rddreg [dreg:$0x1];
	p0 =	sne.s32 s2, $0x0  }
0x84: {  	s3 =	rddreg [dreg:$0x2];
	[bflag:$0x3] =	sbarrier.arrive $0xFFFF;
	s2 =	simm.s32 @!p0 $0x1C01  }
0x85: {  	[timem:s3], [sflag:s2] =	dma.local @!p0 [hbm:s0], s1  }
0x86: {  	s0 =	simm.s32 @!p0 $0x1  }
0x87: {  	_ =	swait.ge @!p0 [sflag:s0], s1  }
0x88: {  	s1 =	ssub.s32 @!p0 $0x0, s1;
	[sflag:s0] =	ssyncset.done @!p0 $0x0  }
0x89: {  	[sflag:s0] =	ssyncadd.s32 @!p0 s1  }
0x8a: {  	[bflag:$0x3] =	sbarrier.arrive $0xFFFF  }
0x8b: {  	_ =	shalt  }

// kernel: kernel.16.cloned.1.call-start
scs
__scs_entry_jumppad:
0x0: {  	(pc) =	sbr.rel $0x88, $3  }
0x1: {  	(tag) =	ssettag $0x0;
	lr =	simm.s32 $0x1  }
0x2: {  	[smem:$0x3F94] =	sst lr;
	_ =	strace $0xD0000000  }
0x3: {  	_ = 	snop  }
0x4: {  	_ = 	snop  }
0x5: {  	_ = 	snop  }
0x6: {  	_ = 	snop  }
0x7: {  	_ = 	snop  }
__scs_overlays_trampoline_lowered:
0x8: {  	[smem:$0x3FA3] =	sst s0  }
0x9: {  	[smem:$0x3FA4] =	sst s1  }
0xa: {  	[smem:$0x3FA5] =	sst s2  }
0xb: {  	[smem:$0x3FA6] =	sst s3  }
0xc: {  	[smem:$0x3FA7] =	sst s4  }
0xd: {  	[smem:$0x3FA8] =	sst s5  }
0xe: {  	[smem:$0x3FA9] =	sst s6  }
0xf: {  	[smem:$0x3FAA] =	sst s7  }
0x10: {  	[smem:$0x3FAB] =	sst s8  }
0x11: {  	[smem:$0x3FAC] =	sst s9;
	s0 =	simm.s32 @!p0 $0x0  }
0x12: {  	s1 =	sld [smem:$0x3F92];
	s0 =	simm.s32 @p0 $0x1  }
0x13: {  	[smem:$0x3FAD] =	sst s0;
	s0 =	simm.s32 @!p1 $0x0  }
0x14: {  	s2 =	sld [smem:$0x3F91];
	s0 =	simm.s32 @p1 $0x1  }
0x15: {  	[smem:$0x3FAE] =	sst s0;
	s0 =	simm.s32 @!p2 $0x0  }
0x16: {  	s3 =	sld [smem:$0x3FDB];
	s0 =	simm.s32 @p2 $0x1  }
0x17: {  	s4 =	simm.s32 $0x1BF5;
	[smem:$0x3FB0] =	sst s0  }
0x18: {  	s0 =	sld [smem:$0x3F93];
	_ =	swait.ge [sflag:s4], $0x0  }
0x19: {  	s7 =	sld [smem:$0x3F94]  }
0x1a: {  	s8 =	sadd.s32 $0xFFFFE003, lr  }
0x1b: {  	s9 =	sadd.s32 $0xFFFFFEF7, lr;
	s5 =	simm.s32 $0xFFFFFFFF;
	p2 =	slt.u32 s8, $0xFFFFF086  }
0x1c: {  	p1 =	slt.u32 s9, $0xF7A;
	s5 =	simm.s32 @!p2 $0x0  }
0x1d: {  	s5 =	simm.s32 @p1 $0x1;
	p0 =	seq.s32 s7, s2  }
0x1e: {  	s7 =	smul.u32 @!p0 $0xF7A, s2;
	p2 =	seq.s32 @!p0 s5, $0x0  }
0x1f: {  	s9 =	smul.u32 $0xF7A, s1;
	s8 =	simm.s32 @!p0 $0x1BF5;
	p2 =	por !p2, p0  }
0x20: {  	[sflag:s8] =	ssyncset.s32 @!p0 $0xFFFFF086;
	s6 =	sadd.s32 @!p0 s3, s7;
	s7 =	simm.s32 @!p0 $0x108  }
0x21: {  	s3 =	sadd.s32 s3, s9;
	s6 =	sadd.s32 @!p0 $0x88, s6;
	s7 =	simm.s32 @p2 $0x1082  }
0x22: {  	[simem:s7], [sflag:s8] =	dma.local @!p0 [hbm:s6], $0xF7A  }
0x23: {  	s9 =	sor.u32 $0xD0000000, s2;
	s6 =	simm.s32 $0x108;
	_ =	swait.ge @!p0 [sflag:s8], $0x0  }
0x24: {  	s3 =	sadd.s32 $0x88, s3;
	s6 =	simm.s32 @!p1 $0x1082;
	[sflag:s4] =	ssyncset.s32 $0xFFFFF086  }
0x25: {  	[simem:s6], [sflag:s4] =	dma.local [hbm:s3], $0xF7A  }
0x26: {  	[smem:$0x3F94] =	sst s1;
	(tag) =	ssettag s2;
	_ =	strace s9  }
0x27: {  	s1 =	sld [smem:$0x3FA4]  }
0x28: {  	s2 =	sld [smem:$0x3FA5]  }
0x29: {  	s4 =	sld [smem:$0x3FA7]  }
0x2a: {  	p0 =	seq.s32 s5, $0x0;
	s5 =	sld [smem:$0x3FA8]  }
0x2b: {  	s6 =	sld [smem:$0x3FA9]  }
0x2c: {  	s7 =	sld [smem:$0x3FAA]  }
0x2d: {  	s3 =	simm.s32 $0x108;
	s8 =	sld [smem:$0x3FAB]  }
0x2e: {  	s3 =	simm.s32 @!p0 $0x1082;
	s9 =	sld [smem:$0x3FAC]  }
0x2f: {  	lr =	sadd.s32 s0, s3;
	s0 =	sld [smem:$0x3FA3]  }
0x30: {  	s3 =	sld [smem:$0x3FA6]  }
0x31: {  	[smem:$0x3FAF] =	sst s10  }
0x32: {  	s10 =	sld [smem:$0x3FAD];
	_ =	sdelay $0x3  }
0x33: {  	p0 =	seq.s32 s10, $0x1;
	s10 =	sld [smem:$0x3FAF];
	_ =	sdelay $0x3  }
0x34: {  	[smem:$0x3FAF] =	sst s10  }
0x35: {  	s10 =	sld [smem:$0x3FAE];
	_ =	sdelay $0x3  }
0x36: {  	p1 =	seq.s32 s10, $0x1;
	s10 =	sld [smem:$0x3FAF];
	_ =	sdelay $0x3  }
0x37: {  	[smem:$0x3FAF] =	sst s10  }
0x38: {  	s10 =	sld [smem:$0x3FB0]  }
0x39: {  	_ = 	snop;
	(pc) =	sbr.ind lr, $3  }
0x3a: {  	_ = 	snop  }
0x3b: {  	_ = 	snop  }
0x3c: {  	p2 =	seq.s32 s10, $0x1;
	s10 =	sld [smem:$0x3FAF]  }
0x3d: {  	_ =	shalt  }
0x3e: {  	_ =	shalt  }
0x3f: {  	_ =	shalt  }
0x40: {  	_ =	shalt  }
0x41: {  	_ =	shalt  }
0x42: {  	_ =	shalt  }
0x43: {  	_ =	shalt  }
0x44: {  	_ =	shalt  }
0x45: {  	_ =	shalt  }
0x46: {  	_ =	shalt  }
0x47: {  	_ =	shalt  }
0x48: {  	_ =	shalt  }
0x49: {  	_ =	shalt  }
0x4a: {  	_ =	shalt  }
0x4b: {  	_ =	shalt  }
0x4c: {  	_ =	shalt  }
0x4d: {  	_ =	shalt  }
0x4e: {  	_ =	shalt  }
0x4f: {  	_ =	shalt  }
0x50: {  	_ =	shalt  }
0x51: {  	_ =	shalt  }
0x52: {  	_ =	shalt  }
0x53: {  	_ =	shalt  }
0x54: {  	_ =	shalt  }
0x55: {  	_ =	shalt  }
0x56: {  	_ =	shalt  }
0x57: {  	_ =	shalt  }
0x58: {  	_ =	shalt  }
0x59: {  	_ =	shalt  }
0x5a: {  	_ =	shalt  }
0x5b: {  	_ =	shalt  }
0x5c: {  	_ =	shalt  }
0x5d: {  	_ =	shalt  }
0x5e: {  	_ =	shalt  }
0x5f: {  	_ =	shalt  }
0x60: {  	_ =	shalt  }
0x61: {  	_ =	shalt  }
0x62: {  	_ =	shalt  }
0x63: {  	_ =	shalt  }
0x64: {  	_ =	shalt  }
0x65: {  	_ =	shalt  }
0x66: {  	_ =	shalt  }
0x67: {  	_ =	shalt  }
0x68: {  	_ =	shalt  }
0x69: {  	_ =	shalt  }
0x6a: {  	_ =	shalt  }
0x6b: {  	_ =	shalt  }
0x6c: {  	_ =	shalt  }
0x6d: {  	_ =	shalt  }
0x6e: {  	_ =	shalt  }
0x6f: {  	_ =	shalt  }
0x70: {  	_ =	shalt  }
0x71: {  	_ =	shalt  }
0x72: {  	_ =	shalt  }
0x73: {  	_ =	shalt  }
0x74: {  	_ =	shalt  }
0x75: {  	_ =	shalt  }
0x76: {  	_ =	shalt  }
0x77: {  	_ =	shalt  }
0x78: {  	_ =	shalt  }
0x79: {  	_ =	shalt  }
0x7a: {  	_ =	shalt  }
0x7b: {  	_ =	shalt  }
0x7c: {  	_ =	shalt  }
0x7d: {  	_ =	shalt  }
0x7e: {  	_ =	shalt  }
0x7f: {  	_ =	shalt  }
0x80: {  	_ =	shalt  }
0x81: {  	_ =	shalt  }
0x82: {  	_ =	shalt  }
0x83: {  	_ =	shalt  }
0x84: {  	_ =	shalt  }
0x85: {  	_ =	shalt  }
0x86: {  	_ =	shalt  }
0x87: {  	_ =	shalt  }
.Lfunc_end0:
.L_simem_size_0:
called_computation.2_lowered:
.L_overlay_start_0:
0x88: {  	s2 =	sld [smem:$0x3FD9]  }
0x89: {  	s3 =	sld [smem:$0x3FFE];
	_ =	sdelay $0x1  }
0x8a: {  	s1 =	srdreg.scid  }
0x8b: {  	s0 =	sand.u32 $0x1, s1  }
0x8c: {  	s16 =	sshll.u32 s0, $0xA;
	s2 =	sadd.s32 s3, s2  }
0x8d: {  	s2 =	sadd.s32 s2, s16  }
0x8e: {  	[smem:$0x3FBB] =	sst s2  }
0x8f: {  	_ = 	snop  }
0x90: {  	(tm) =	ssettm $0x1  }
0x91: {  	s17 =	sld [smem:$0x3FFB];
	_ =	sdelay $0x3  }
0x92: {  	_ =	strace s17  }
0x93: {  	s2 =	sld [smem:$0x3FFC];
	_ =	sdelay $0x3  }
0x94: {  	_ =	strace s2  }
0x95: {  	s2 =	sld [smem:$0x3FFD];
	_ =	sdelay $0x3  }
0x96: {  	_ =	strace s2  }
0x97: {  	_ =	strace $0x8FFFFFFF  }
0x98: {  	s18 =	sld [smem:$0x3FDB];
	_ =	sdelay $0x1  }
0x99: {  	s19 =	simm.s32 $_scs_section_size  }
0x9a: {  	s4 =	simm.s32 $_size__tile_overlayer_lowered;
	s5 =	simm.s32 $_tile_overlayer_lowered  }
0x9b: {  	s22 =	simm.s32 $0x1BFF;
	s21 =	sshll.u32 s5, $0x1;
	s2 =	sadd.s32 s19, s18  }
0x9c: {  	s6 =	simm.s32 $0x0;
	s20 =	sshll.u32 s4, $0x1;
	s4 =	sadd.s32 s21, s2  }
0x9d: {  	[timem:s6], [sflag:s22] =	dma.local [hbm:s4], s20  }
0x9e: {  	_ =	swait.ge [sflag:s22], s20  }
0x9f: {  	s3 =	ssub.s32 $0x0, s20;
	[sflag:s22] =	ssyncset.done $0x0  }
0xa0: {  	[sflag:s22] =	ssyncadd.s32 s3;
	_ =	sdelay $0x1  }
0xa1: {  	s23 =	simm.s32 $0x1B8B  }
0xa2: {  	_ =	swait.ge [sflag:s23], $0x1  }
0xa3: {  	[sflag:s23] =	ssyncset.done $0x0  }
0xa4: {  	s25 =	simm.s32 $0x1B8E;
	s24 =	sld [smem:$0x3FFE];
	[sflag:s23] =	ssyncadd.s32 $0xFFFFFFFF  }
0xa5: {  	s26 =	simm.s32 $execute0_lowered;
	[smem:$0x3FD2] =	sst s25  }
0xa6: {  	s4 =	sshll.u32 s26, $0x1;
	_ =	strace $0x8000004C;
	[dreg:$0x1] =	wrdreg $0xFFFFFFFF  }
0xa7: {  	s28 =	simm.s32 $_size_execute0_lowered;
	s2 =	sadd.s32 s2, s4;
	[dreg:$0x0] =	wrdreg $0x0  }
0xa8: {  	s4 =	sshll.u32 s28, $0x1;
	[dreg:$0x2] =	wrdreg s2  }
0xa9: {  	[dreg:$0x3] =	wrdreg s4  }
0xaa: {  	[dreg:$0x4] =	wrdreg $0xC0  }
0xab: {  	_ =	task [dreg:s6], $0x5FFFF  }
0xac: {  	[dreg:$0x1] =	wrdreg $0xFFFFFFFF  }
0xad: {  	[dreg:$0x0] =	wrdreg $0x60  }
0xae: {  	[dreg:$0x2] =	wrdreg s24  }
0xaf: {  	[dreg:$0x3] =	wrdreg $0x9  }
0xb0: {  	_ =	task.clear_ibuf [dreg:s6], $0x4FFFF;
	_ =	strace $0x9000004C  }
0xb1: {  	s29 =	simm.s32 $0x9;
	_ =	strace $0x8000004E  }
0xb2: {  	_ =	swait.ge [sflag:s29], $0x1  }
0xb3: {  	[sflag:s29] =	ssyncadd.s32 $0xFFFFFFFF  }
0xb4: {  	_ =	strace $0x9000004E  }
0xb5: {  	_ =	sfence  }
0xb6: {  	s30 =	sld [smem:$0x0];
	_ =	sdelay $0x2  }
0xb7: {  	s31 =	sshll.u32 s1, $0xD;
	s1 =	sshrl.u32 s1, $0x2  }
0xb8: {  	s3 =	sand.u32 $0x4000, s31;
	s1 =	sadd.s32 s1, s30  }
0xb9: {  	s0 =	sor.u32 s3, s0;
	s1 =	sshll.u32 s1, $0x11  }
0xba: {  	s0 =	sor.u32 s1, s0  }
0xbb: {  	s0 =	sadd.s32 $0x8F2B, s0  }
0xbc: {  	[sflag:s0] =	ssyncadd.remote.s32 $0x1  }
0xbd: {  	_ =	sfence.sel $0xFFFF  }
0xbe: {  	[dreg:$0x0] =	wrdreg $0xFFFFFFFF;
	(pc) =	sbr.abs _section_cstart, $3  }
0xbf: {  	[dreg:$0x1] =	wrdreg $0xFFFFFFFF  }
0xc0: {  	_ =	task.clear_ibuf [dreg:s6], $0x2FFFF;
	_ =	strace $0x9FFFFFFF  }
0xc1: {  	(tm) =	ssettm $0x7FFFFFFF  }
tec
execute0_lowered:
.L_overlay_start_1:
0x0: {  	(tag) =	ssettag $0x1  }
0x1: {  	s0 =	srdreg.scid  }
0x2: {  	s3 =	sand.u32 $0x1, s0  }
0x3: {  	s4 =	rddreg [dreg:$0x0];
	s0 =	stileid.u32;
	s1 =	sshll.u32 s3, $0x4  }
0x4: {  	s2 =	simm.s32 $0x0;
	s9 =	simm.s32 $0x400;
	s1 =	sor.u32 s0, s1  }
0x5: {  	s10 =	simm.s32 $0x1900;
	s11 =	simm.s32 $0x1;
	s1 =	sshrl.u32 s1, $0x3  }
0x6: {  	s12 =	simm.s32 $0xC80;
	s6 =	sshll.u32 s0, $0x7;
	s5 =	smul.u32 $0x4E400, s1  }
0x7: {  	s13 =	simm.s32 $0xB580;
	s14 =	simm.s32 $0x0;
	s6 =	sand.u32 $0x380, s6  }
0x8: {  	[smem:$0x7FF] =	sst s2;
	s30 =	ssub.s32 $0x2, s3;
	s5 =	sor.u32 s6, s5  }
0x9: {  	s3 =	sadd.s32 $0x2A00, s4;
	s31 =	sshrl.u32 s30, $0x1;
	s5 =	sshrl.u32 s5, $0x3  }
0xa: {  	s8 =	ssub.s32 s30, s31;
	s1 =	rddreg [dreg:$0x1];
	s7 =	sadd.s32 s5, s4  }
0xb: {  	_ =	strace $0x8000004D;
	s4 =	sadd.s32 $0xC800, s4;
	s5 =	sadd.s32 $0xB2A00, s7  }
0xc: {  	v0 =	vimm.f32 $0.0e+00;
	s6 =	sadd.s32 $0x16600, s7;
	s7 =	smax.u32 s8, $0x1;
	s8 =	simm.s32 $0x80  }
.LBB2_1:
0xd: {  	s15 =	simm.s32 $0x40;
	s16 =	simm.s32 $0x0  }
.LBB2_2:
0xe: {  	p0 =	sne.s32 s15, $0x270C0;
	[tilespmem:s16+$0xB580] =	vst v0;
	s16 =	smov.u32 s15;
	s15 =	sadd.s32 $0x40, s15  }
.Ltmp0:
0xf: {  	(pc) =	sbr.rel @p0 .LBB2_2-.Ltmp0, $2  }
0x10: {  	_ =	sdelay $0x2  }
0x11: {  	s16 =	sshra.s32 s16, $0x2  }
0x12: {  	[tilespmem:s16+$0xB580] =	vst v0  }
0x13: {  	[tilespmem:s10], [sflag:$0x1] =	stream.strided.gather [hbm4b:s5+s8], $0x9C80, s9, s8, $0x38;
	[tilespmem:$0x15200] =	vst v63  }
0x14: {  	_ =	swait.ge [sflag:s11], $0x9C80  }
0x15: {  	[sflag:s11] =	ssyncset.done $0x0  }
0x16: {  	s15 =	simm.s32 $0x0;
	[sflag:s11] =	ssyncadd.s32 $0xFFFF6380  }
.LBB2_4:
0x17: {  	s16 =	smul.u32 $0x190, s15;
	_ =	sdelay $0x1  }
0x18: {  	s17 =	sadd.s32 s3, s16  }
0x19: {  	[tilespmem:s2], [sflag:$0x1] =	stream.linear.gather [hbm4b:s17+s2], $0xC80, $0x38;
	[tilespmem:$0x15200] =	vst v63  }
0x1a: {  	_ =	swait.ge [sflag:s11], $0xC80  }
0x1b: {  	[sflag:s11] =	ssyncset.done $0x0  }
0x1c: {  	s16 =	sadd.s32 s4, s16;
	[sflag:s11] =	ssyncadd.s32 $0xFFFFF380  }
0x1d: {  	[tilespmem:s12], [sflag:$0x1] =	stream.linear.gather [hbm4b:s16+s2], $0xC80, $0x38;
	[tilespmem:$0x15200] =	vst v63  }
0x1e: {  	_ =	swait.ge [sflag:s11], $0xC80  }
0x1f: {  	[sflag:s11] =	ssyncset.done $0x0  }
0x20: {  	s31 =	simm.s32 $0x20;
	[sflag:s11] =	ssyncadd.s32 $0xFFFFF380  }
0x21: {  	v1 =	vld [tilespmem:s31+$0x10]  }
0x22: {  	v2 =	vld [tilespmem:s31+$0xFFFFFFF0];
	_ =	sdelay $0x1  }
0x23: {  	v3 =	vld [tilespmem:s31+$0xFFFFFFE0]  }
0x24: {  	s16 =	simm.s32 $0xCA0;
	v4 =	vld [tilespmem:s31+$0x0]  }
0x25: {  	v5 =	vld [tilespmem:s16+$0x10];
	v1 =	vshll.u32 v1, $0x2  }
0x26: {  	v6 =	vld [tilespmem:s16+$0xFFFFFFF0];
	v2 =	vshll.u32 v2, $0x2;
	_ =	sdelay $0x1  }
0x27: {  	v7 =	vld [tilespmem:s16+$0xFFFFFFE0];
	v3 =	vshll.u32 v3, $0x2  }
0x28: {  	v8 =	vld [tilespmem:s16+$0x0];
	v4 =	vshll.u32 v4, $0x2  }
0x29: {  	v5 =	vshll.u32 v5, $0x2;
	v9 =	vld.idx.msk [tilespmem:v1+s10+$0x0], $0xffff  }
0x2a: {  	v12 =	vshll.u32 v6, $0x2;
	v11 =	vld.idx.msk [tilespmem:v2+s10+$0x0], $0xffff  }
0x2b: {  	v10 =	vor.u32 $0x1, v1  }
0x2c: {  	v7 =	vshll.u32 v7, $0x2;
	v6 =	vld.idx.msk [tilespmem:v3+s10+$0x0], $0xffff  }
0x2d: {  	v14 =	vshll.u32 v8, $0x2;
	v8 =	vor.u32 $0x1, v3;
	v13 =	vld.idx.msk [tilespmem:v4+s10+$0x0], $0xffff  }
0x2e: {  	[tilespmem:v5+s13+$0x0] =	vst.idx.add.f32.msk $0xffff, v9  }
0x2f: {  	v9 =	vor.u32 $0x1, v2;
	[tilespmem:v12+s13+$0x0] =	vst.idx.add.f32.msk $0xffff, v11  }
0x30: {  	v11 =	vor.u32 $0x1, v5;
	v10 =	vld.idx.msk [tilespmem:v10+s10+$0x0], $0xffff  }
0x31: {  	v15 =	vor.u32 $0x1, v4;
	[tilespmem:v7+s13+$0x0] =	vst.idx.add.f32.msk $0xffff, v6  }
0x32: {  	v59 =	vor.u32 $0x1, v7;
	v8 =	vld.idx.msk [tilespmem:v8+s10+$0x0], $0xffff  }
0x33: {  	v6 =	vor.u32 $0x2, v1;
	[tilespmem:v14+s13+$0x0] =	vst.idx.add.f32.msk $0xffff, v13  }
0x34: {  	v17 =	vor.u32 $0x2, v3;
	v9 =	vld.idx.msk [tilespmem:v9+s10+$0x0], $0xffff  }
0x35: {  	v16 =	vor.u32 $0x1, v12;
	[tilespmem:v11+s13+$0x0] =	vst.idx.add.f32.msk $0xffff, v10  }
0x36: {  	v60 =	vor.u32 $0x1, v14;
	v11 =	vld.idx.msk [tilespmem:v15+s10+$0x0], $0xffff  }
0x37: {  	[tilespmem:v59+s13+$0x0] =	vst.idx.add.f32.msk $0xffff, v8;
	v8 =	vor.u32 $0x2, v2  }
0x38: {  	v10 =	vor.u32 $0x2, v5;
	v6 =	vld.idx.msk [tilespmem:v6+s10+$0x0], $0xffff  }
0x39: {  	v1 =	vor.u32 $0x3, v1;
	v13 =	vld.idx.msk [tilespmem:v17+s10+$0x0], $0xffff  }
0x3a: {  	v61 =	vor.u32 $0x2, v7;
	[tilespmem:v16+s13+$0x0] =	vst.idx.add.f32.msk $0xffff, v9  }
0x3b: {  	v3 =	vor.u32 $0x3, v3;
	[tilespmem:v60+s13+$0x0] =	vst.idx.add.f32.msk $0xffff, v11  }
0x3c: {  	v9 =	vor.u32 $0x2, v4;
	v63 =	vld.idx.msk [tilespmem:v8+s10+$0x0], $0xffff  }
0x3d: {  	v62 =	vor.u32 $0x2, v12;
	[tilespmem:v10+s13+$0x0] =	vst.idx.add.f32.msk $0xffff, v6  }
0x3e: {  	v11 =	vor.u32 $0x3, v5;
	v10 =	vld.idx.msk [tilespmem:v1+s10+$0x0], $0xffff  }
0x3f: {  	[tilespmem:v61+s13+$0x0] =	vst.idx.add.f32.msk $0xffff, v13  }
0x40: {  	v6 =	vld.idx.msk [tilespmem:v3+s10+$0x0], $0xffff  }
0x41: {  	v8 =	vld.idx.msk [tilespmem:v9+s10+$0x0], $0xffff  }
0x42: {  	v5 =	vor.u32 $0x3, v2;
	v2 =	vor.u32 $0x3, v7;
	v7 =	vor.u32 $0x2, v14;
	[tilespmem:v62+s13+$0x0] =	vst.idx.add.f32.msk $0xffff, v63  }
0x43: {  	s18 =	simm.s32 $0x60;
	s17 =	simm.s32 $0x0;
	v1 =	vor.u32 $0x3, v4;
	v4 =	vor.u32 $0x3, v12;
	v3 =	vor.u32 $0x3, v14;
	[tilespmem:v11+s13+$0x0] =	vst.idx.add.f32.msk $0xffff, v10  }
.LBB2_5:
0x44: {  	v9 =	vld [tilespmem:s18+$0x10];
	s17 =	sadd.s32 $0x4, s17  }
0x45: {  	v10 =	vld [tilespmem:s18+$0xFFFFFFF0];
	p0 =	slt.u32 s17, $0xC4  }
0x46: {  	v11 =	vld [tilespmem:s18+$0x0]  }
0x47: {  	v12 =	vld [tilespmem:s18+$0xFFFFFFE0]  }
0x48: {  	[tilespmem:v7+s13+$0x0] =	vst.idx.add.f32.msk $0xffff, v8  }
0x49: {  	s16 =	sadd.s32 $0x40, s16;
	v8 =	vshll.u32 v9, $0x2;
	v9 =	vld.idx.msk [tilespmem:v5+s10+$0x0], $0xffff  }
0x4a: {  	v7 =	vshll.u32 v10, $0x2;
	v10 =	vld [tilespmem:s16+$0x10]  }
0x4b: {  	v13 =	vld [tilespmem:s16+$0xFFFFFFE0];
	v14 =	vor.u32 $0x1, v7;
	v15 =	vor.u32 $0x2, v7;
	v11 =	vshll.u32 v11, $0x2  }
0x4c: {  	v12 =	vshll.u32 v12, $0x2;
	v16 =	vld [tilespmem:s16+$0xFFFFFFF0];
	v17 =	vor.u32 $0x1, v11;
	v18 =	vor.u32 $0x2, v11  }
0x4d: {  	v19 =	vor.u32 $0x1, v12;
	v20 =	vor.u32 $0x2, v12;
	v21 =	vor.u32 $0x3, v12;
	v22 =	vld [tilespmem:s16+$0x0]  }
0x4e: {  	v5 =	vor.u32 $0x3, v7;
	v23 =	vor.u32 $0x3, v11;
	v24 =	vld.idx.msk [tilespmem:v8+s10+$0x0], $0xffff  }
0x4f: {  	v25 =	vld.idx.msk [tilespmem:v7+s10+$0x0], $0xffff;
	v10 =	vshll.u32 v10, $0x2  }
0x50: {  	v26 =	vor.u32 $0x1, v8;
	v13 =	vshll.u32 v13, $0x2;
	v11 =	vld.idx.msk [tilespmem:v11+s10+$0x0], $0xffff  }
0x51: {  	v12 =	vld.idx.msk [tilespmem:v12+s10+$0x0], $0xffff;
	v27 =	vor.u32 $0x1, v13;
	v28 =	vor.u32 $0x2, v13;
	v16 =	vshll.u32 v16, $0x2  }
0x52: {  	v29 =	vor.u32 $0x1, v16;
	v30 =	vor.u32 $0x2, v16;
	v22 =	vshll.u32 v22, $0x2;
	v31 =	vld.idx.msk [tilespmem:v1+s10+$0x0], $0xffff;
	v1 =	vmovc v23  }
0x53: {  	v23 =	vor.u32 $0x1, v22;
	v7 =	vor.u32 $0x2, v22;
	[tilespmem:v2+s13+$0x0] =	vst.idx.add.f32.msk $0xffff, v6;
	v2 =	vor.u32 $0x3, v13  }
0x54: {  	v6 =	vor.u32 $0x3, v16;
	v32 =	vor.u32 $0x3, v22;
	[tilespmem:v10+s13+$0x0] =	vst.idx.add.f32.msk $0xffff, v24  }
0x55: {  	v24 =	vld.idx.msk [tilespmem:v26+s10+$0x0], $0xffff  }
0x56: {  	[tilespmem:v16+s13+$0x0] =	vst.idx.add.f32.msk $0xffff, v25;
	v16 =	vor.u32 $0x1, v10  }
0x57: {  	[tilespmem:v13+s13+$0x0] =	vst.idx.add.f32.msk $0xffff, v12;
	v12 =	vor.u32 $0x2, v8  }
0x58: {  	[tilespmem:v22+s13+$0x0] =	vst.idx.add.f32.msk $0xffff, v11  }
0x59: {  	v11 =	vld.idx.msk [tilespmem:v19+s10+$0x0], $0xffff  }
0x5a: {  	v13 =	vld.idx.msk [tilespmem:v14+s10+$0x0], $0xffff  }
0x5b: {  	[tilespmem:v16+s13+$0x0] =	vst.idx.add.f32.msk $0xffff, v24  }
0x5c: {  	v12 =	vld.idx.msk [tilespmem:v12+s10+$0x0], $0xffff  }
0x5d: {  	v16 =	vor.u32 $0x2, v10;
	v14 =	vld.idx.msk [tilespmem:v17+s10+$0x0], $0xffff  }
0x5e: {  	v8 =	vor.u32 $0x3, v8;
	[tilespmem:v4+s13+$0x0] =	vst.idx.add.f32.msk $0xffff, v9;
	v4 =	vmov v6  }
0x5f: {  	[tilespmem:v27+s13+$0x0] =	vst.idx.add.f32.msk $0xffff, v11  }
0x60: {  	[tilespmem:v29+s13+$0x0] =	vst.idx.add.f32.msk $0xffff, v13  }
0x61: {  	v6 =	vld.idx.msk [tilespmem:v20+s10+$0x0], $0xffff  }
0x62: {  	[tilespmem:v16+s13+$0x0] =	vst.idx.add.f32.msk $0xffff, v12  }
0x63: {  	v9 =	vld.idx.msk [tilespmem:v8+s10+$0x0], $0xffff  }
0x64: {  	v10 =	vor.u32 $0x3, v10;
	[tilespmem:v23+s13+$0x0] =	vst.idx.add.f32.msk $0xffff, v14  }
0x65: {  	v11 =	vld.idx.msk [tilespmem:v15+s10+$0x0], $0xffff  }
0x66: {  	v8 =	vld.idx.msk [tilespmem:v18+s10+$0x0], $0xffff  }
.Ltmp1:
0x67: {  	[tilespmem:v28+s13+$0x0] =	vst.idx.add.f32.msk $0xffff, v6;
	(pc) =	sbr.rel @p0 .LBB2_5-.Ltmp1, $4  }
0x68: {  	v6 =	vld.idx.msk [tilespmem:v21+s10+$0x0], $0xffff  }
0x69: {  	[tilespmem:v10+s13+$0x0] =	vst.idx.add.f32.msk $0xffff, v9  }
0x6a: {  	[tilespmem:v3+s13+$0x0] =	vst.idx.add.f32.msk $0xffff, v31;
	v3 =	vmov v32  }
0x6b: {  	s18 =	sadd.s32 $0x40, s18;
	[tilespmem:v30+s13+$0x0] =	vst.idx.add.f32.msk $0xffff, v11  }
0x6c: {  	_ =	sdelay $0x3  }
0x6d: {  	[tilespmem:v7+s13+$0x0] =	vst.idx.add.f32.msk $0xffff, v8  }
0x6e: {  	v5 =	vld.idx.msk [tilespmem:v5+s10+$0x0], $0xffff;
	s15 =	sadd.s32 $0x1, s15  }
0x6f: {  	v1 =	vld.idx.msk [tilespmem:v1+s10+$0x0], $0xffff;
	p0 =	sne.s32 s15, $0x64  }
.Ltmp2:
0x70: {  	_ = 	snop;
	(pc) =	sbr.rel @p0 .LBB2_4-.Ltmp2, $4  }
0x71: {  	_ = 	snop  }
0x72: {  	[tilespmem:v2+s13+$0x0] =	vst.idx.add.f32.msk $0xffff, v6  }
0x73: {  	[tilespmem:v4+s13+$0x0] =	vst.idx.add.f32.msk $0xffff, v5  }
0x74: {  	[tilespmem:v3+s13+$0x0] =	vst.idx.add.f32.msk $0xffff, v1  }
0x75: {  	s14 =	sadd.s32 $0x1, s14  }
0x76: {  	p0 =	sne.s32 s14, s7  }
.Ltmp3:
0x77: {  	_ = 	snop;
	(pc) =	sbr.rel @p0 .LBB2_1-.Ltmp3, $4  }
0x78: {  	[hbm4b:s6+s8] =	stream.strided.scatter [tilespmem:s13], [sflag:$0x1], $0x9C80, s9, s8, $0x38;
	[tilespmem:$0x15200] =	vst v63  }
0x79: {  	_ =	swait.ge [sflag:s11], $0x9C80  }
0x7a: {  	[sflag:s11] =	ssyncset.done $0x0  }
0x7b: {  	[sflag:s11] =	ssyncadd.s32 $0xFFFF6380  }
0x7c: {  	_ =	sfence.sel $0x180000  }
0x7d: {  	[bflag:$0x0] =	sbarrier.arrive $0xFFFF  }
0x7e: {  	p0 =	sne.s32 s0, $0x0;
	_ =	strace $0x9000004D  }
0x7f: {  	s0 =	sadd.s32 @!p0 $0x100000, s1;
	[bflag:$0x2] =	sbarrier.arrive $0xFFFF  }
0x80: {  	[sflag:s0] =	ssyncadd.tile.s32 @!p0 $0x1;
	_ =	shalt  }
.Lfunc_end2:
_tile_overlayer_lowered:
.L_overlay_start_2:
0x81: {  	(tag) =	ssettag $0x2  }
0x82: {  	s0 =	rddreg [dreg:$0x0];
	s2 =	stileid.u32  }
0x83: {  	s1 =	rddreg [dreg:$0x1];
	p0 =	sne.s32 s2, $0x0  }
0x84: {  	s3 =	rddreg [dreg:$0x2];
	[bflag:$0x3] =	sbarrier.arrive $0xFFFF;
	s2 =	simm.s32 @!p0 $0x1C01  }
0x85: {  	[timem:s3], [sflag:s2] =	dma.local @!p0 [hbm:s0], s1  }
0x86: {  	s0 =	simm.s32 @!p0 $0x1  }
0x87: {  	_ =	swait.ge @!p0 [sflag:s0], s1  }
0x88: {  	s1 =	ssub.s32 @!p0 $0x0, s1;
	[sflag:s0] =	ssyncset.done @!p0 $0x0  }
0x89: {  	[sflag:s0] =	ssyncadd.s32 @!p0 s1  }
0x8a: {  	[bflag:$0x3] =	sbarrier.arrive $0xFFFF  }
0x8b: {  	_ =	shalt  }

// kernel: kernel.19.cloned.1.call-start
scs
__scs_entry_jumppad:
0x0: {  	(pc) =	sbr.rel $0x88, $3  }
0x1: {  	(tag) =	ssettag $0x0;
	lr =	simm.s32 $0x1  }
0x2: {  	[smem:$0x3F94] =	sst lr;
	_ =	strace $0xD0000000  }
0x3: {  	_ = 	snop  }
0x4: {  	_ = 	snop  }
0x5: {  	_ = 	snop  }
0x6: {  	_ = 	snop  }
0x7: {  	_ = 	snop  }
__scs_overlays_trampoline_lowered:
0x8: {  	[smem:$0x3FA3] =	sst s0  }
0x9: {  	[smem:$0x3FA4] =	sst s1  }
0xa: {  	[smem:$0x3FA5] =	sst s2  }
0xb: {  	[smem:$0x3FA6] =	sst s3  }
0xc: {  	[smem:$0x3FA7] =	sst s4  }
0xd: {  	[smem:$0x3FA8] =	sst s5  }
0xe: {  	[smem:$0x3FA9] =	sst s6  }
0xf: {  	[smem:$0x3FAA] =	sst s7  }
0x10: {  	[smem:$0x3FAB] =	sst s8  }
0x11: {  	[smem:$0x3FAC] =	sst s9;
	s0 =	simm.s32 @!p0 $0x0  }
0x12: {  	s1 =	sld [smem:$0x3F92];
	s0 =	simm.s32 @p0 $0x1  }
0x13: {  	[smem:$0x3FAD] =	sst s0;
	s0 =	simm.s32 @!p1 $0x0  }
0x14: {  	s2 =	sld [smem:$0x3F91];
	s0 =	simm.s32 @p1 $0x1  }
0x15: {  	[smem:$0x3FAE] =	sst s0;
	s0 =	simm.s32 @!p2 $0x0  }
0x16: {  	s3 =	sld [smem:$0x3FDB];
	s0 =	simm.s32 @p2 $0x1  }
0x17: {  	s4 =	simm.s32 $0x1BF5;
	[smem:$0x3FB0] =	sst s0  }
0x18: {  	s0 =	sld [smem:$0x3F93];
	_ =	swait.ge [sflag:s4], $0x0  }
0x19: {  	s7 =	sld [smem:$0x3F94]  }
0x1a: {  	s8 =	sadd.s32 $0xFFFFE003, lr  }
0x1b: {  	s9 =	sadd.s32 $0xFFFFFEF7, lr;
	s5 =	simm.s32 $0xFFFFFFFF;
	p2 =	slt.u32 s8, $0xFFFFF086  }
0x1c: {  	p1 =	slt.u32 s9, $0xF7A;
	s5 =	simm.s32 @!p2 $0x0  }
0x1d: {  	s5 =	simm.s32 @p1 $0x1;
	p0 =	seq.s32 s7, s2  }
0x1e: {  	s7 =	smul.u32 @!p0 $0xF7A, s2;
	p2 =	seq.s32 @!p0 s5, $0x0  }
0x1f: {  	s9 =	smul.u32 $0xF7A, s1;
	s8 =	simm.s32 @!p0 $0x1BF5;
	p2 =	por !p2, p0  }
0x20: {  	[sflag:s8] =	ssyncset.s32 @!p0 $0xFFFFF086;
	s6 =	sadd.s32 @!p0 s3, s7;
	s7 =	simm.s32 @!p0 $0x108  }
0x21: {  	s3 =	sadd.s32 s3, s9;
	s6 =	sadd.s32 @!p0 $0x88, s6;
	s7 =	simm.s32 @p2 $0x1082  }
0x22: {  	[simem:s7], [sflag:s8] =	dma.local @!p0 [hbm:s6], $0xF7A  }
0x23: {  	s9 =	sor.u32 $0xD0000000, s2;
	s6 =	simm.s32 $0x108;
	_ =	swait.ge @!p0 [sflag:s8], $0x0  }
0x24: {  	s3 =	sadd.s32 $0x88, s3;
	s6 =	simm.s32 @!p1 $0x1082;
	[sflag:s4] =	ssyncset.s32 $0xFFFFF086  }
0x25: {  	[simem:s6], [sflag:s4] =	dma.local [hbm:s3], $0xF7A  }
0x26: {  	[smem:$0x3F94] =	sst s1;
	(tag) =	ssettag s2;
	_ =	strace s9  }
0x27: {  	s1 =	sld [smem:$0x3FA4]  }
0x28: {  	s2 =	sld [smem:$0x3FA5]  }
0x29: {  	s4 =	sld [smem:$0x3FA7]  }
0x2a: {  	p0 =	seq.s32 s5, $0x0;
	s5 =	sld [smem:$0x3FA8]  }
0x2b: {  	s6 =	sld [smem:$0x3FA9]  }
0x2c: {  	s7 =	sld [smem:$0x3FAA]  }
0x2d: {  	s3 =	simm.s32 $0x108;
	s8 =	sld [smem:$0x3FAB]  }
0x2e: {  	s3 =	simm.s32 @!p0 $0x1082;
	s9 =	sld [smem:$0x3FAC]  }
0x2f: {  	lr =	sadd.s32 s0, s3;
	s0 =	sld [smem:$0x3FA3]  }
0x30: {  	s3 =	sld [smem:$0x3FA6]  }
0x31: {  	[smem:$0x3FAF] =	sst s10  }
0x32: {  	s10 =	sld [smem:$0x3FAD];
	_ =	sdelay $0x3  }
0x33: {  	p0 =	seq.s32 s10, $0x1;
	s10 =	sld [smem:$0x3FAF];
	_ =	sdelay $0x3  }
0x34: {  	[smem:$0x3FAF] =	sst s10  }
0x35: {  	s10 =	sld [smem:$0x3FAE];
	_ =	sdelay $0x3  }
0x36: {  	p1 =	seq.s32 s10, $0x1;
	s10 =	sld [smem:$0x3FAF];
	_ =	sdelay $0x3  }
0x37: {  	[smem:$0x3FAF] =	sst s10  }
0x38: {  	s10 =	sld [smem:$0x3FB0]  }
0x39: {  	_ = 	snop;
	(pc) =	sbr.ind lr, $3  }
0x3a: {  	_ = 	snop  }
0x3b: {  	_ = 	snop  }
0x3c: {  	p2 =	seq.s32 s10, $0x1;
	s10 =	sld [smem:$0x3FAF]  }
0x3d: {  	_ =	shalt  }
0x3e: {  	_ =	shalt  }
0x3f: {  	_ =	shalt  }
0x40: {  	_ =	shalt  }
0x41: {  	_ =	shalt  }
0x42: {  	_ =	shalt  }
0x43: {  	_ =	shalt  }
0x44: {  	_ =	shalt  }
0x45: {  	_ =	shalt  }
0x46: {  	_ =	shalt  }
0x47: {  	_ =	shalt  }
0x48: {  	_ =	shalt  }
0x49: {  	_ =	shalt  }
0x4a: {  	_ =	shalt  }
0x4b: {  	_ =	shalt  }
0x4c: {  	_ =	shalt  }
0x4d: {  	_ =	shalt  }
0x4e: {  	_ =	shalt  }
0x4f: {  	_ =	shalt  }
0x50: {  	_ =	shalt  }
0x51: {  	_ =	shalt  }
0x52: {  	_ =	shalt  }
0x53: {  	_ =	shalt  }
0x54: {  	_ =	shalt  }
0x55: {  	_ =	shalt  }
0x56: {  	_ =	shalt  }
0x57: {  	_ =	shalt  }
0x58: {  	_ =	shalt  }
0x59: {  	_ =	shalt  }
0x5a: {  	_ =	shalt  }
0x5b: {  	_ =	shalt  }
0x5c: {  	_ =	shalt  }
0x5d: {  	_ =	shalt  }
0x5e: {  	_ =	shalt  }
0x5f: {  	_ =	shalt  }
0x60: {  	_ =	shalt  }
0x61: {  	_ =	shalt  }
0x62: {  	_ =	shalt  }
0x63: {  	_ =	shalt  }
0x64: {  	_ =	shalt  }
0x65: {  	_ =	shalt  }
0x66: {  	_ =	shalt  }
0x67: {  	_ =	shalt  }
0x68: {  	_ =	shalt  }
0x69: {  	_ =	shalt  }
0x6a: {  	_ =	shalt  }
0x6b: {  	_ =	shalt  }
0x6c: {  	_ =	shalt  }
0x6d: {  	_ =	shalt  }
0x6e: {  	_ =	shalt  }
0x6f: {  	_ =	shalt  }
0x70: {  	_ =	shalt  }
0x71: {  	_ =	shalt  }
0x72: {  	_ =	shalt  }
0x73: {  	_ =	shalt  }
0x74: {  	_ =	shalt  }
0x75: {  	_ =	shalt  }
0x76: {  	_ =	shalt  }
0x77: {  	_ =	shalt  }
0x78: {  	_ =	shalt  }
0x79: {  	_ =	shalt  }
0x7a: {  	_ =	shalt  }
0x7b: {  	_ =	shalt  }
0x7c: {  	_ =	shalt  }
0x7d: {  	_ =	shalt  }
0x7e: {  	_ =	shalt  }
0x7f: {  	_ =	shalt  }
0x80: {  	_ =	shalt  }
0x81: {  	_ =	shalt  }
0x82: {  	_ =	shalt  }
0x83: {  	_ =	shalt  }
0x84: {  	_ =	shalt  }
0x85: {  	_ =	shalt  }
0x86: {  	_ =	shalt  }
0x87: {  	_ =	shalt  }
.Lfunc_end0:
.L_simem_size_0:
called_computation.3_lowered:
.L_overlay_start_0:
0x88: {  	s2 =	sld [smem:$0x3FD9]  }
0x89: {  	s3 =	sld [smem:$0x3FFE];
	_ =	sdelay $0x1  }
0x8a: {  	s1 =	srdreg.scid  }
0x8b: {  	s0 =	sand.u32 $0x1, s1  }
0x8c: {  	s16 =	sshll.u32 s0, $0xA;
	s2 =	sadd.s32 s3, s2  }
0x8d: {  	s2 =	sadd.s32 s2, s16  }
0x8e: {  	[smem:$0x3FBB] =	sst s2  }
0x8f: {  	_ = 	snop  }
0x90: {  	(tm) =	ssettm $0x1  }
0x91: {  	s17 =	sld [smem:$0x3FFB];
	_ =	sdelay $0x3  }
0x92: {  	_ =	strace s17  }
0x93: {  	s2 =	sld [smem:$0x3FFC];
	_ =	sdelay $0x3  }
0x94: {  	_ =	strace s2  }
0x95: {  	s2 =	sld [smem:$0x3FFD];
	_ =	sdelay $0x3  }
0x96: {  	_ =	strace s2  }
0x97: {  	_ =	strace $0x8FFFFFFF  }
0x98: {  	s18 =	sld [smem:$0x3FDB];
	_ =	sdelay $0x1  }
0x99: {  	s19 =	simm.s32 $_scs_section_size  }
0x9a: {  	s4 =	simm.s32 $_size__tile_overlayer_lowered;
	s5 =	simm.s32 $_tile_overlayer_lowered  }
0x9b: {  	s22 =	simm.s32 $0x1BFF;
	s21 =	sshll.u32 s5, $0x1;
	s2 =	sadd.s32 s19, s18  }
0x9c: {  	s6 =	simm.s32 $0x0;
	s20 =	sshll.u32 s4, $0x1;
	s4 =	sadd.s32 s21, s2  }
0x9d: {  	[timem:s6], [sflag:s22] =	dma.local [hbm:s4], s20  }
0x9e: {  	_ =	swait.ge [sflag:s22], s20  }
0x9f: {  	s3 =	ssub.s32 $0x0, s20;
	[sflag:s22] =	ssyncset.done $0x0  }
0xa0: {  	[sflag:s22] =	ssyncadd.s32 s3;
	_ =	sdelay $0x1  }
0xa1: {  	s23 =	simm.s32 $0x1B8B  }
0xa2: {  	_ =	swait.ge [sflag:s23], $0x1  }
0xa3: {  	[sflag:s23] =	ssyncset.done $0x0  }
0xa4: {  	s25 =	simm.s32 $0x1B8E;
	s24 =	sld [smem:$0x3FFE];
	[sflag:s23] =	ssyncadd.s32 $0xFFFFFFFF  }
0xa5: {  	s26 =	simm.s32 $execute0_lowered;
	[smem:$0x3FD2] =	sst s25  }
0xa6: {  	s4 =	sshll.u32 s26, $0x1;
	_ =	strace $0x8000004F;
	[dreg:$0x1] =	wrdreg $0xFFFFFFFF  }
0xa7: {  	s28 =	simm.s32 $_size_execute0_lowered;
	s2 =	sadd.s32 s2, s4;
	[dreg:$0x0] =	wrdreg $0x0  }
0xa8: {  	s4 =	sshll.u32 s28, $0x1;
	[dreg:$0x2] =	wrdreg s2  }
0xa9: {  	[dreg:$0x3] =	wrdreg s4  }
0xaa: {  	[dreg:$0x4] =	wrdreg $0xC0  }
0xab: {  	_ =	task [dreg:s6], $0x5FFFF  }
0xac: {  	[dreg:$0x1] =	wrdreg $0xFFFFFFFF  }
0xad: {  	[dreg:$0x0] =	wrdreg $0x60  }
0xae: {  	[dreg:$0x2] =	wrdreg s24  }
0xaf: {  	[dreg:$0x3] =	wrdreg $0x9  }
0xb0: {  	_ =	task.clear_ibuf [dreg:s6], $0x4FFFF;
	_ =	strace $0x9000004F  }
0xb1: {  	s29 =	simm.s32 $0x9;
	_ =	strace $0x80000051  }
0xb2: {  	_ =	swait.ge [sflag:s29], $0x1  }
0xb3: {  	[sflag:s29] =	ssyncadd.s32 $0xFFFFFFFF  }
0xb4: {  	_ =	strace $0x90000051  }
0xb5: {  	_ =	sfence  }
0xb6: {  	s30 =	sld [smem:$0x0];
	_ =	sdelay $0x2  }
0xb7: {  	s31 =	sshll.u32 s1, $0xD;
	s1 =	sshrl.u32 s1, $0x2  }
0xb8: {  	s3 =	sand.u32 $0x4000, s31;
	s1 =	sadd.s32 s1, s30  }
0xb9: {  	s0 =	sor.u32 s3, s0;
	s1 =	sshll.u32 s1, $0x11  }
0xba: {  	s0 =	sor.u32 s1, s0  }
0xbb: {  	s0 =	sadd.s32 $0x8F2B, s0  }
0xbc: {  	[sflag:s0] =	ssyncadd.remote.s32 $0x1  }
0xbd: {  	_ =	sfence.sel $0xFFFF  }
0xbe: {  	[dreg:$0x0] =	wrdreg $0xFFFFFFFF;
	(pc) =	sbr.abs _section_cstart, $3  }
0xbf: {  	[dreg:$0x1] =	wrdreg $0xFFFFFFFF  }
0xc0: {  	_ =	task.clear_ibuf [dreg:s6], $0x2FFFF;
	_ =	strace $0x9FFFFFFF  }
0xc1: {  	(tm) =	ssettm $0x7FFFFFFF  }
tec
execute0_lowered:
.L_overlay_start_1:
0x0: {  	(tag) =	ssettag $0x1  }
0x1: {  	s0 =	srdreg.scid  }
0x2: {  	s3 =	sand.u32 $0x1, s0  }
0x3: {  	s4 =	rddreg [dreg:$0x0];
	s0 =	stileid.u32;
	s1 =	sshll.u32 s3, $0x4  }
0x4: {  	s2 =	simm.s32 $0x0;
	s9 =	simm.s32 $0x400;
	s1 =	sor.u32 s0, s1  }
0x5: {  	s10 =	simm.s32 $0x1900;
	s11 =	simm.s32 $0x1;
	s1 =	sshrl.u32 s1, $0x3  }
0x6: {  	s12 =	simm.s32 $0xC80;
	s6 =	sshll.u32 s0, $0x7;
	s5 =	smul.u32 $0x4E400, s1  }
0x7: {  	s13 =	simm.s32 $0xB580;
	s14 =	simm.s32 $0x0;
	s6 =	sand.u32 $0x380, s6  }
0x8: {  	[smem:$0x7FF] =	sst s2;
	s30 =	ssub.s32 $0x2, s3;
	s5 =	sor.u32 s6, s5  }
0x9: {  	s3 =	sadd.s32 $0x2A00, s4;
	s31 =	sshrl.u32 s30, $0x1;
	s5 =	sshrl.u32 s5, $0x3  }
0xa: {  	s8 =	ssub.s32 s30, s31;
	s1 =	rddreg [dreg:$0x1];
	s7 =	sadd.s32 s5, s4  }
0xb: {  	_ =	strace $0x80000050;
	s4 =	sadd.s32 $0xC800, s4;
	s5 =	sadd.s32 $0x16600, s7  }
0xc: {  	v0 =	vimm.f32 $0.0e+00;
	s6 =	sadd.s32 $0x3D800, s7;
	s7 =	smax.u32 s8, $0x1;
	s8 =	simm.s32 $0x80  }
.LBB2_1:
0xd: {  	s15 =	simm.s32 $0x40;
	s16 =	simm.s32 $0x0  }
.LBB2_2:
0xe: {  	p0 =	sne.s32 s15, $0x270C0;
	[tilespmem:s16+$0xB580] =	vst v0;
	s16 =	smov.u32 s15;
	s15 =	sadd.s32 $0x40, s15  }
.Ltmp0:
0xf: {  	(pc) =	sbr.rel @p0 .LBB2_2-.Ltmp0, $2  }
0x10: {  	_ =	sdelay $0x2  }
0x11: {  	s16 =	sshra.s32 s16, $0x2  }
0x12: {  	[tilespmem:s16+$0xB580] =	vst v0  }
0x13: {  	[tilespmem:s10], [sflag:$0x1] =	stream.strided.gather [hbm4b:s5+s8], $0x9C80, s9, s8, $0x38;
	[tilespmem:$0x15200] =	vst v63  }
0x14: {  	_ =	swait.ge [sflag:s11], $0x9C80  }
0x15: {  	[sflag:s11] =	ssyncset.done $0x0  }
0x16: {  	s15 =	simm.s32 $0x0;
	[sflag:s11] =	ssyncadd.s32 $0xFFFF6380  }
.LBB2_4:
0x17: {  	s16 =	smul.u32 $0x190, s15;
	_ =	sdelay $0x1  }
0x18: {  	s17 =	sadd.s32 s3, s16  }
0x19: {  	[tilespmem:s2], [sflag:$0x1] =	stream.linear.gather [hbm4b:s17+s2], $0xC80, $0x38;
	[tilespmem:$0x15200] =	vst v63  }
0x1a: {  	_ =	swait.ge [sflag:s11], $0xC80  }
0x1b: {  	[sflag:s11] =	ssyncset.done $0x0  }
0x1c: {  	s16 =	sadd.s32 s4, s16;
	[sflag:s11] =	ssyncadd.s32 $0xFFFFF380  }
0x1d: {  	[tilespmem:s12], [sflag:$0x1] =	stream.linear.gather [hbm4b:s16+s2], $0xC80, $0x38;
	[tilespmem:$0x15200] =	vst v63  }
0x1e: {  	_ =	swait.ge [sflag:s11], $0xC80  }
0x1f: {  	[sflag:s11] =	ssyncset.done $0x0  }
0x20: {  	s31 =	simm.s32 $0x20;
	[sflag:s11] =	ssyncadd.s32 $0xFFFFF380  }
0x21: {  	v1 =	vld [tilespmem:s31+$0x10]  }
0x22: {  	v2 =	vld [tilespmem:s31+$0xFFFFFFF0];
	_ =	sdelay $0x1  }
0x23: {  	v3 =	vld [tilespmem:s31+$0xFFFFFFE0]  }
0x24: {  	s16 =	simm.s32 $0xCA0;
	v4 =	vld [tilespmem:s31+$0x0]  }
0x25: {  	v5 =	vld [tilespmem:s16+$0x10];
	v1 =	vshll.u32 v1, $0x2  }
0x26: {  	v6 =	vld [tilespmem:s16+$0xFFFFFFF0];
	v2 =	vshll.u32 v2, $0x2;
	_ =	sdelay $0x1  }
0x27: {  	v7 =	vld [tilespmem:s16+$0xFFFFFFE0];
	v3 =	vshll.u32 v3, $0x2  }
0x28: {  	v8 =	vld [tilespmem:s16+$0x0];
	v4 =	vshll.u32 v4, $0x2  }
0x29: {  	v5 =	vshll.u32 v5, $0x2;
	v9 =	vld.idx.msk [tilespmem:v1+s10+$0x0], $0xffff  }
0x2a: {  	v12 =	vshll.u32 v6, $0x2;
	v11 =	vld.idx.msk [tilespmem:v2+s10+$0x0], $0xffff  }
0x2b: {  	v10 =	vor.u32 $0x1, v1  }
0x2c: {  	v7 =	vshll.u32 v7, $0x2;
	v6 =	vld.idx.msk [tilespmem:v3+s10+$0x0], $0xffff  }
0x2d: {  	v14 =	vshll.u32 v8, $0x2;
	v8 =	vor.u32 $0x1, v3;
	v13 =	vld.idx.msk [tilespmem:v4+s10+$0x0], $0xffff  }
0x2e: {  	[tilespmem:v5+s13+$0x0] =	vst.idx.add.f32.msk $0xffff, v9  }
0x2f: {  	v9 =	vor.u32 $0x1, v2;
	[tilespmem:v12+s13+$0x0] =	vst.idx.add.f32.msk $0xffff, v11  }
0x30: {  	v11 =	vor.u32 $0x1, v5;
	v10 =	vld.idx.msk [tilespmem:v10+s10+$0x0], $0xffff  }
0x31: {  	v15 =	vor.u32 $0x1, v4;
	[tilespmem:v7+s13+$0x0] =	vst.idx.add.f32.msk $0xffff, v6  }
0x32: {  	v59 =	vor.u32 $0x1, v7;
	v8 =	vld.idx.msk [tilespmem:v8+s10+$0x0], $0xffff  }
0x33: {  	v6 =	vor.u32 $0x2, v1;
	[tilespmem:v14+s13+$0x0] =	vst.idx.add.f32.msk $0xffff, v13  }
0x34: {  	v17 =	vor.u32 $0x2, v3;
	v9 =	vld.idx.msk [tilespmem:v9+s10+$0x0], $0xffff  }
0x35: {  	v16 =	vor.u32 $0x1, v12;
	[tilespmem:v11+s13+$0x0] =	vst.idx.add.f32.msk $0xffff, v10  }
0x36: {  	v60 =	vor.u32 $0x1, v14;
	v11 =	vld.idx.msk [tilespmem:v15+s10+$0x0], $0xffff  }
0x37: {  	[tilespmem:v59+s13+$0x0] =	vst.idx.add.f32.msk $0xffff, v8;
	v8 =	vor.u32 $0x2, v2  }
0x38: {  	v10 =	vor.u32 $0x2, v5;
	v6 =	vld.idx.msk [tilespmem:v6+s10+$0x0], $0xffff  }
0x39: {  	v1 =	vor.u32 $0x3, v1;
	v13 =	vld.idx.msk [tilespmem:v17+s10+$0x0], $0xffff  }
0x3a: {  	v61 =	vor.u32 $0x2, v7;
	[tilespmem:v16+s13+$0x0] =	vst.idx.add.f32.msk $0xffff, v9  }
0x3b: {  	v3 =	vor.u32 $0x3, v3;
	[tilespmem:v60+s13+$0x0] =	vst.idx.add.f32.msk $0xffff, v11  }
0x3c: {  	v9 =	vor.u32 $0x2, v4;
	v63 =	vld.idx.msk [tilespmem:v8+s10+$0x0], $0xffff  }
0x3d: {  	v62 =	vor.u32 $0x2, v12;
	[tilespmem:v10+s13+$0x0] =	vst.idx.add.f32.msk $0xffff, v6  }
0x3e: {  	v11 =	vor.u32 $0x3, v5;
	v10 =	vld.idx.msk [tilespmem:v1+s10+$0x0], $0xffff  }
0x3f: {  	[tilespmem:v61+s13+$0x0] =	vst.idx.add.f32.msk $0xffff, v13  }
0x40: {  	v6 =	vld.idx.msk [tilespmem:v3+s10+$0x0], $0xffff  }
0x41: {  	v8 =	vld.idx.msk [tilespmem:v9+s10+$0x0], $0xffff  }
0x42: {  	v5 =	vor.u32 $0x3, v2;
	v2 =	vor.u32 $0x3, v7;
	v7 =	vor.u32 $0x2, v14;
	[tilespmem:v62+s13+$0x0] =	vst.idx.add.f32.msk $0xffff, v63  }
0x43: {  	s18 =	simm.s32 $0x60;
	s17 =	simm.s32 $0x0;
	v1 =	vor.u32 $0x3, v4;
	v4 =	vor.u32 $0x3, v12;
	v3 =	vor.u32 $0x3, v14;
	[tilespmem:v11+s13+$0x0] =	vst.idx.add.f32.msk $0xffff, v10  }
.LBB2_5:
0x44: {  	v9 =	vld [tilespmem:s18+$0x10];
	s17 =	sadd.s32 $0x4, s17  }
0x45: {  	v10 =	vld [tilespmem:s18+$0xFFFFFFF0];
	p0 =	slt.u32 s17, $0xC4  }
0x46: {  	v11 =	vld [tilespmem:s18+$0x0]  }
0x47: {  	v12 =	vld [tilespmem:s18+$0xFFFFFFE0]  }
0x48: {  	[tilespmem:v7+s13+$0x0] =	vst.idx.add.f32.msk $0xffff, v8  }
0x49: {  	s16 =	sadd.s32 $0x40, s16;
	v8 =	vshll.u32 v9, $0x2;
	v9 =	vld.idx.msk [tilespmem:v5+s10+$0x0], $0xffff  }
0x4a: {  	v7 =	vshll.u32 v10, $0x2;
	v10 =	vld [tilespmem:s16+$0x10]  }
0x4b: {  	v13 =	vld [tilespmem:s16+$0xFFFFFFE0];
	v14 =	vor.u32 $0x1, v7;
	v15 =	vor.u32 $0x2, v7;
	v11 =	vshll.u32 v11, $0x2  }
0x4c: {  	v12 =	vshll.u32 v12, $0x2;
	v16 =	vld [tilespmem:s16+$0xFFFFFFF0];
	v17 =	vor.u32 $0x1, v11;
	v18 =	vor.u32 $0x2, v11  }
0x4d: {  	v19 =	vor.u32 $0x1, v12;
	v20 =	vor.u32 $0x2, v12;
	v21 =	vor.u32 $0x3, v12;
	v22 =	vld [tilespmem:s16+$0x0]  }
0x4e: {  	v5 =	vor.u32 $0x3, v7;
	v23 =	vor.u32 $0x3, v11;
	v24 =	vld.idx.msk [tilespmem:v8+s10+$0x0], $0xffff  }
0x4f: {  	v25 =	vld.idx.msk [tilespmem:v7+s10+$0x0], $0xffff;
	v10 =	vshll.u32 v10, $0x2  }
0x50: {  	v26 =	vor.u32 $0x1, v8;
	v13 =	vshll.u32 v13, $0x2;
	v11 =	vld.idx.msk [tilespmem:v11+s10+$0x0], $0xffff  }
0x51: {  	v12 =	vld.idx.msk [tilespmem:v12+s10+$0x0], $0xffff;
	v27 =	vor.u32 $0x1, v13;
	v28 =	vor.u32 $0x2, v13;
	v16 =	vshll.u32 v16, $0x2  }
0x52: {  	v29 =	vor.u32 $0x1, v16;
	v30 =	vor.u32 $0x2, v16;
	v22 =	vshll.u32 v22, $0x2;
	v31 =	vld.idx.msk [tilespmem:v1+s10+$0x0], $0xffff;
	v1 =	vmovc v23  }
0x53: {  	v23 =	vor.u32 $0x1, v22;
	v7 =	vor.u32 $0x2, v22;
	[tilespmem:v2+s13+$0x0] =	vst.idx.add.f32.msk $0xffff, v6;
	v2 =	vor.u32 $0x3, v13  }
0x54: {  	v6 =	vor.u32 $0x3, v16;
	v32 =	vor.u32 $0x3, v22;
	[tilespmem:v10+s13+$0x0] =	vst.idx.add.f32.msk $0xffff, v24  }
0x55: {  	v24 =	vld.idx.msk [tilespmem:v26+s10+$0x0], $0xffff  }
0x56: {  	[tilespmem:v16+s13+$0x0] =	vst.idx.add.f32.msk $0xffff, v25;
	v16 =	vor.u32 $0x1, v10  }
0x57: {  	[tilespmem:v13+s13+$0x0] =	vst.idx.add.f32.msk $0xffff, v12;
	v12 =	vor.u32 $0x2, v8  }
0x58: {  	[tilespmem:v22+s13+$0x0] =	vst.idx.add.f32.msk $0xffff, v11  }
0x59: {  	v11 =	vld.idx.msk [tilespmem:v19+s10+$0x0], $0xffff  }
0x5a: {  	v13 =	vld.idx.msk [tilespmem:v14+s10+$0x0], $0xffff  }
0x5b: {  	[tilespmem:v16+s13+$0x0] =	vst.idx.add.f32.msk $0xffff, v24  }
0x5c: {  	v12 =	vld.idx.msk [tilespmem:v12+s10+$0x0], $0xffff  }
0x5d: {  	v16 =	vor.u32 $0x2, v10;
	v14 =	vld.idx.msk [tilespmem:v17+s10+$0x0], $0xffff  }
0x5e: {  	v8 =	vor.u32 $0x3, v8;
	[tilespmem:v4+s13+$0x0] =	vst.idx.add.f32.msk $0xffff, v9;
	v4 =	vmov v6  }
0x5f: {  	[tilespmem:v27+s13+$0x0] =	vst.idx.add.f32.msk $0xffff, v11  }
0x60: {  	[tilespmem:v29+s13+$0x0] =	vst.idx.add.f32.msk $0xffff, v13  }
0x61: {  	v6 =	vld.idx.msk [tilespmem:v20+s10+$0x0], $0xffff  }
0x62: {  	[tilespmem:v16+s13+$0x0] =	vst.idx.add.f32.msk $0xffff, v12  }
0x63: {  	v9 =	vld.idx.msk [tilespmem:v8+s10+$0x0], $0xffff  }
0x64: {  	v10 =	vor.u32 $0x3, v10;
	[tilespmem:v23+s13+$0x0] =	vst.idx.add.f32.msk $0xffff, v14  }
0x65: {  	v11 =	vld.idx.msk [tilespmem:v15+s10+$0x0], $0xffff  }
0x66: {  	v8 =	vld.idx.msk [tilespmem:v18+s10+$0x0], $0xffff  }
.Ltmp1:
0x67: {  	[tilespmem:v28+s13+$0x0] =	vst.idx.add.f32.msk $0xffff, v6;
	(pc) =	sbr.rel @p0 .LBB2_5-.Ltmp1, $4  }
0x68: {  	v6 =	vld.idx.msk [tilespmem:v21+s10+$0x0], $0xffff  }
0x69: {  	[tilespmem:v10+s13+$0x0] =	vst.idx.add.f32.msk $0xffff, v9  }
0x6a: {  	[tilespmem:v3+s13+$0x0] =	vst.idx.add.f32.msk $0xffff, v31;
	v3 =	vmov v32  }
0x6b: {  	s18 =	sadd.s32 $0x40, s18;
	[tilespmem:v30+s13+$0x0] =	vst.idx.add.f32.msk $0xffff, v11  }
0x6c: {  	_ =	sdelay $0x3  }
0x6d: {  	[tilespmem:v7+s13+$0x0] =	vst.idx.add.f32.msk $0xffff, v8  }
0x6e: {  	v5 =	vld.idx.msk [tilespmem:v5+s10+$0x0], $0xffff;
	s15 =	sadd.s32 $0x1, s15  }
0x6f: {  	v1 =	vld.idx.msk [tilespmem:v1+s10+$0x0], $0xffff;
	p0 =	sne.s32 s15, $0x64  }
.Ltmp2:
0x70: {  	_ = 	snop;
	(pc) =	sbr.rel @p0 .LBB2_4-.Ltmp2, $4  }
0x71: {  	_ = 	snop  }
0x72: {  	[tilespmem:v2+s13+$0x0] =	vst.idx.add.f32.msk $0xffff, v6  }
0x73: {  	[tilespmem:v4+s13+$0x0] =	vst.idx.add.f32.msk $0xffff, v5  }
0x74: {  	[tilespmem:v3+s13+$0x0] =	vst.idx.add.f32.msk $0xffff, v1  }
0x75: {  	s14 =	sadd.s32 $0x1, s14  }
0x76: {  	p0 =	sne.s32 s14, s7  }
.Ltmp3:
0x77: {  	_ = 	snop;
	(pc) =	sbr.rel @p0 .LBB2_1-.Ltmp3, $4  }
0x78: {  	[hbm4b:s6+s8] =	stream.strided.scatter [tilespmem:s13], [sflag:$0x1], $0x9C80, s9, s8, $0x38;
	[tilespmem:$0x15200] =	vst v63  }
0x79: {  	_ =	swait.ge [sflag:s11], $0x9C80  }
0x7a: {  	[sflag:s11] =	ssyncset.done $0x0  }
0x7b: {  	[sflag:s11] =	ssyncadd.s32 $0xFFFF6380  }
0x7c: {  	_ =	sfence.sel $0x180000  }
0x7d: {  	[bflag:$0x0] =	sbarrier.arrive $0xFFFF  }
0x7e: {  	p0 =	sne.s32 s0, $0x0;
	_ =	strace $0x90000050  }
0x7f: {  	s0 =	sadd.s32 @!p0 $0x100000, s1;
	[bflag:$0x2] =	sbarrier.arrive $0xFFFF  }
0x80: {  	[sflag:s0] =	ssyncadd.tile.s32 @!p0 $0x1;
	_ =	shalt  }
.Lfunc_end2:
_tile_overlayer_lowered:
.L_overlay_start_2:
0x81: {  	(tag) =	ssettag $0x2  }
0x82: {  	s0 =	rddreg [dreg:$0x0];
	s2 =	stileid.u32  }
0x83: {  	s1 =	rddreg [dreg:$0x1];
	p0 =	sne.s32 s2, $0x0  }
0x84: {  	s3 =	rddreg [dreg:$0x2];
	[bflag:$0x3] =	sbarrier.arrive $0xFFFF;
	s2 =	simm.s32 @!p0 $0x1C01  }
0x85: {  	[timem:s3], [sflag:s2] =	dma.local @!p0 [hbm:s0], s1  }
0x86: {  	s0 =	simm.s32 @!p0 $0x1  }
0x87: {  	_ =	swait.ge @!p0 [sflag:s0], s1  }
0x88: {  	s1 =	ssub.s32 @!p0 $0x0, s1;
	[sflag:s0] =	ssyncset.done @!p0 $0x0  }
0x89: {  	[sflag:s0] =	ssyncadd.s32 @!p0 s1  }
0x8a: {  	[bflag:$0x3] =	sbarrier.arrive $0xFFFF  }
0x8b: {  	_ =	shalt  }

</sc_bundles>
